<compile_context>
chip_gen: v7x
topology: tpu7x:2x2x1
jax: 0.10.2.dev20260603
libtpu: 0.0.44.dev20260713+nightly
codegen_flags: <defaults>
</compile_context>

<pallas_src>
import functools

import jax
import jax.numpy as jnp
from jax import lax
from jax.experimental import pallas as pl
from jax.experimental.pallas import tpu as pltpu
from jax.experimental.pallas import tpu_sc as plsc

B = 16384
D = 128
BB = 2048
G = B // BB
NC = 2
NS = 16
NW = NC * NS
RPW = B // NW
CH = 128
NCH = RPW // CH
L = 16
BF = jnp.bfloat16


def _dot(a, b):
    return lax.dot_general(a, b, (((1,), (0,)), ((), ())),
                           preferred_element_type=jnp.float32)


def _combo_body(ac_t_ref, bt_t_ref, rt_t_ref, at_t_ref,
                w2_ref, b2_ref, wo_ref, bo_ref, t96_ref):
    f32 = jnp.float32
    wo = wo_ref[...]
    p_ac = _dot(ac_t_ref[...], wo[0:32, :])
    p_bt = _dot(bt_t_ref[...], wo[32:64, :])
    p_rt = _dot(rt_t_ref[...], wo[64:80, :])
    p_at = _dot(at_t_ref[...], wo[80:96, :])
    c0 = _dot(b2_ref[...], wo[96:128, :]) + bo_ref[...]

    def sel(n, f):
        rows = lax.broadcasted_iota(jnp.int32, (96, n), 0)
        cols = lax.broadcasted_iota(jnp.int32, (96, n), 1)
        return (f(rows) == cols).astype(f32)

    t96 = _dot(sel(4, lambda r: r // 24), p_ac)
    t96 += _dot(sel(4, lambda r: (r // 6) % 4), p_bt)
    t96 += _dot(sel(2, lambda r: (r // 3) % 2), p_rt)
    t96 += _dot(sel(3, lambda r: r % 3), p_at)
    t96_ref[...] = t96 + c0


def _sc_gather(t96, ac, bt, rt, at):
    mesh = plsc.VectorSubcoreMesh(core_axis_name="c", subcore_axis_name="s")
    f32 = jnp.float32

    @functools.partial(
        pl.kernel, mesh=mesh,
        out_type=jax.ShapeDtypeStruct((B, D), f32),
        scratch_types=[pltpu.VMEM((RPW,), jnp.int32),
                       pltpu.VMEM((RPW,), jnp.int32),
                       pltpu.VMEM((RPW,), jnp.int32),
                       pltpu.VMEM((RPW,), jnp.int32),
                       pltpu.VMEM((RPW,), jnp.int32),
                       pltpu.VMEM((RPW, D), f32),
                       pltpu.SemaphoreType.DMA,
                       pltpu.SemaphoreType.DMA],
    )
    def k(t96_h, ac_h, bt_h, rt_h, at_h, out_h,
          ia_v, ib_v, ir_v, it_v, ic_v, acc_v, gsem, wsem):
        wid = lax.axis_index("s") * NC + lax.axis_index("c")
        base = wid * RPW
        sl_in = pl.ds(base, RPW)
        idx_copies = [pltpu.async_copy(ac_h.at[sl_in], ia_v, gsem),
                      pltpu.async_copy(bt_h.at[sl_in], ib_v, gsem),
                      pltpu.async_copy(rt_h.at[sl_in], ir_v, gsem),
                      pltpu.async_copy(at_h.at[sl_in], it_v, gsem)]
        for c in idx_copies:
            c.wait()
        gathers = []
        for j in range(NCH):
            for jj in range(CH // L):
                s = pl.ds(j * CH + jj * L, L)
                ic_v[s] = (((ia_v[s] * 4 + ib_v[s]) * 2 + ir_v[s]) * 3
                           + it_v[s])
            sl = pl.ds(j * CH, CH)
            gathers.append(pltpu.async_copy(
                t96_h.at[ic_v.at[sl]], acc_v.at[sl], gsem))
        writes = []
        for j in range(NCH):
            sl = pl.ds(j * CH, CH)
            gathers[j].wait()
            writes.append(pltpu.async_copy(
                acc_v.at[sl], out_h.at[pl.ds(base + j * CH, CH)], wsem))
        for w in writes:
            w.wait()

    return k(t96, ac, bt, rt, at)


def _tc_body(emb_ref, x_ref, w1_ref, b1_ref, w2_ref, wo_ref, out_ref,
             w2p_ref):
    @pl.when(pl.program_id(0) == 0)
    def _prep():
        w2p_ref[...] = _dot(w2_ref[...], wo_ref[96:128, :]).astype(BF)

    h = jnp.maximum(_dot(x_ref[...].astype(BF), w1_ref[...].astype(BF))
                    + b1_ref[...], 0.0)
    out_ref[...] = emb_ref[...] + _dot(h.astype(BF), w2p_ref[...])


@jax.jit
def kernel(asset_class, borrower_type, rate_type, amort_type,
           continuous_features, ac_table, bt_table, rt_table, at_table,
           W1, b1, W2, b2, Wo, bo):
    n_cont = continuous_features.shape[1]
    full = lambda shape: pl.BlockSpec(shape, lambda *_: tuple(0 for _ in shape))
    row = lambda w: pl.BlockSpec((BB, w), lambda i: (i, 0))

    t96 = pl.pallas_call(
        _combo_body,
        in_specs=[full((4, 32)), full((4, 32)), full((2, 16)), full((3, 16)),
                  full((64, 32)), full((1, 32)),
                  full((128, 128)), full((1, 128))],
        out_specs=full((96, D)),
        out_shape=jax.ShapeDtypeStruct((96, D), jnp.float32),
    )(ac_table, bt_table, rt_table, at_table,
      W2, b2.reshape(1, 32), Wo, bo.reshape(1, 128))

    emb = _sc_gather(t96, asset_class, borrower_type, rate_type, amort_type)

    out = pl.pallas_call(
        _tc_body,
        grid=(G,),
        in_specs=[row(D), row(n_cont),
                  full((n_cont, 64)), full((1, 64)),
                  full((64, 32)), full((128, 128))],
        out_specs=row(D),
        out_shape=jax.ShapeDtypeStruct((B, D), jnp.float32),
        scratch_shapes=[pltpu.VMEM((64, D), BF)],
        compiler_params=pltpu.CompilerParams(
            dimension_semantics=("arbitrary",)),
    )(emb, continuous_features, W1, b1.reshape(1, 64), W2, Wo)
    return out

# --- scband reference (transcript-rebuilt; emitter-appended) ---
"""Pipeline reference for scband-loan-embedding-29978871726106 (READ-ONLY COPY).

The authoritative reference and input builder live on the scoring server;
editing this copy changes nothing except your own understanding.
"""

import jax, jax.numpy as jnp
import numpy as np

B = 16384
D_MODEL = 128


def setup_inputs(seed: int = 0) -> dict:
    key = jax.random.key(seed)
    ks = jax.random.split(key, 16)
    d4 = D_MODEL // 4  # 32
    d8 = D_MODEL // 8  # 16
    n_cont = 12
    inp = {}
    inp['asset_class'] = jax.random.randint(ks[0], (B,), 0, 4, dtype=jnp.int32)
    inp['borrower_type'] = jax.random.randint(ks[1], (B,), 0, 4, dtype=jnp.int32)
    inp['rate_type'] = jax.random.randint(ks[2], (B,), 0, 2, dtype=jnp.int32)
    inp['amort_type'] = jax.random.randint(ks[3], (B,), 0, 3, dtype=jnp.int32)
    inp['continuous_features'] = jax.random.normal(ks[4], (B, n_cont), dtype=jnp.float32)
    # learned parameters
    inp['ac_table'] = jax.random.normal(ks[5], (4, d4), dtype=jnp.float32) * 0.02
    inp['bt_table'] = jax.random.normal(ks[6], (4, d4), dtype=jnp.float32) * 0.02
    inp['rt_table'] = jax.random.normal(ks[7], (2, d8), dtype=jnp.float32) * 0.02
    inp['at_table'] = jax.random.normal(ks[8], (3, d8), dtype=jnp.float32) * 0.02
    inp['W1'] = jax.random.normal(ks[9], (n_cont, D_MODEL // 2), dtype=jnp.float32) * (1.0 / np.sqrt(n_cont))
    inp['b1'] = jnp.zeros((D_MODEL // 2,), dtype=jnp.float32)
    inp['W2'] = jax.random.normal(ks[10], (D_MODEL // 2, d4), dtype=jnp.float32) * (1.0 / np.sqrt(D_MODEL // 2))
    inp['b2'] = jnp.zeros((d4,), dtype=jnp.float32)
    inp['Wo'] = jax.random.normal(ks[11], (D_MODEL, D_MODEL), dtype=jnp.float32) * (1.0 / np.sqrt(D_MODEL))
    inp['bo'] = jnp.zeros((D_MODEL,), dtype=jnp.float32)
    return inp


def reference(asset_class, borrower_type, rate_type, amort_type, continuous_features,
              ac_table, bt_table, rt_table, at_table, W1, b1, W2, b2, Wo, bo):
    ac_emb = jnp.take(ac_table, asset_class, axis=0)
    bt_emb = jnp.take(bt_table, borrower_type, axis=0)
    rt_emb = jnp.take(rt_table, rate_type, axis=0)
    at_emb = jnp.take(at_table, amort_type, axis=0)
    h = jax.nn.relu(continuous_features @ W1 + b1)
    cont_emb = h @ W2 + b2
    combined = jnp.concatenate([ac_emb, bt_emb, rt_emb, at_emb, cont_emb], axis=-1)
    return combined @ Wo + bo

if __name__ == "__main__":
    import jax
    _d = setup_inputs()
    print(jax.jit(kernel)(*tuple(_d.values())))

</pallas_src>

<mosaic_0001>
#map = affine_map<(d0, d1) -> (0, 0)>
#map1 = affine_map<(d0, d1) -> (0)>
module attributes {stable_mosaic.version = 14 : i64} {
  func.func @k(%arg0: i32, %arg1: i32, %arg2: memref<96x128xf32, #tpu.memory_space<hbm>>, %arg3: memref<16384xi32, #tpu.memory_space<hbm>>, %arg4: memref<16384xi32, #tpu.memory_space<hbm>>, %arg5: memref<16384xi32, #tpu.memory_space<hbm>>, %arg6: memref<16384xi32, #tpu.memory_space<hbm>>, %arg7: memref<16384x128xf32, #tpu.memory_space<hbm>>, %arg8: memref<512xi32, #tpu.memory_space<vmem>>, %arg9: memref<512xi32, #tpu.memory_space<vmem>>, %arg10: memref<512xi32, #tpu.memory_space<vmem>>, %arg11: memref<512xi32, #tpu.memory_space<vmem>>, %arg12: memref<512xi32, #tpu.memory_space<vmem>>, %arg13: memref<512x128xf32, #tpu.memory_space<vmem>>, %arg14: memref<!tpu.dma_semaphore, #tpu.memory_space<semaphore_mem>>, %arg15: memref<!tpu.dma_semaphore, #tpu.memory_space<semaphore_mem>>) attributes {dimension_semantics = [#tpu.dimension_semantics<core_parallel>, #tpu.dimension_semantics<subcore_parallel>], iteration_bounds = array<i64: 2, 16>, scalar_prefetch = 0 : i64, scratch_operands = 8 : i64, tpu.core_type = #tpu.core_type<sc_vector_subcore>, window_params = [{transform_indices = #map}, {transform_indices = #map1}, {transform_indices = #map1}, {transform_indices = #map1}, {transform_indices = #map1}, {transform_indices = #map}]} {
    %mul3A = arith.constant 2 : i32
    %mul3A_0 = arith.muli %arg1, %mul3A : i32
    %add3A = arith.addi %mul3A_0, %arg0 : i32
    %mul3A_1 = arith.constant 512 : i32
    %mul3A_2 = arith.muli %add3A, %mul3A_1 : i32
    %dma_start3A = tpu.memref_slice %arg3[%mul3A_2] : memref<16384xi32, #tpu.memory_space<hbm>> -> memref<512xi32, #tpu.memory_space<hbm>>
    %dma_start3A_3 = tpu.memref_slice %arg3[%mul3A_2] : memref<16384xi32, #tpu.memory_space<hbm>> -> memref<512xi32, #tpu.memory_space<hbm>>
    tpu.enqueue_dma source(%dma_start3A_3 : memref<512xi32, #tpu.memory_space<hbm>>) target(%arg8 : memref<512xi32, #tpu.memory_space<vmem>>) target_semaphore(%arg14 : memref<!tpu.dma_semaphore, #tpu.memory_space<semaphore_mem>>)
    %dma_start3A_4 = tpu.memref_slice %arg4[%mul3A_2] : memref<16384xi32, #tpu.memory_space<hbm>> -> memref<512xi32, #tpu.memory_space<hbm>>
    %dma_start3A_5 = tpu.memref_slice %arg4[%mul3A_2] : memref<16384xi32, #tpu.memory_space<hbm>> -> memref<512xi32, #tpu.memory_space<hbm>>
    tpu.enqueue_dma source(%dma_start3A_5 : memref<512xi32, #tpu.memory_space<hbm>>) target(%arg9 : memref<512xi32, #tpu.memory_space<vmem>>) target_semaphore(%arg14 : memref<!tpu.dma_semaphore, #tpu.memory_space<semaphore_mem>>)
    %dma_start3A_6 = tpu.memref_slice %arg5[%mul3A_2] : memref<16384xi32, #tpu.memory_space<hbm>> -> memref<512xi32, #tpu.memory_space<hbm>>
    %dma_start3A_7 = tpu.memref_slice %arg5[%mul3A_2] : memref<16384xi32, #tpu.memory_space<hbm>> -> memref<512xi32, #tpu.memory_space<hbm>>
    tpu.enqueue_dma source(%dma_start3A_7 : memref<512xi32, #tpu.memory_space<hbm>>) target(%arg10 : memref<512xi32, #tpu.memory_space<vmem>>) target_semaphore(%arg14 : memref<!tpu.dma_semaphore, #tpu.memory_space<semaphore_mem>>)
    %dma_start3A_8 = tpu.memref_slice %arg6[%mul3A_2] : memref<16384xi32, #tpu.memory_space<hbm>> -> memref<512xi32, #tpu.memory_space<hbm>>
    %dma_start3A_9 = tpu.memref_slice %arg6[%mul3A_2] : memref<16384xi32, #tpu.memory_space<hbm>> -> memref<512xi32, #tpu.memory_space<hbm>>
    tpu.enqueue_dma source(%dma_start3A_9 : memref<512xi32, #tpu.memory_space<hbm>>) target(%arg11 : memref<512xi32, #tpu.memory_space<vmem>>) target_semaphore(%arg14 : memref<!tpu.dma_semaphore, #tpu.memory_space<semaphore_mem>>)
    %dma_wait3A = tpu.memref_slice %arg3[%mul3A_2] : memref<16384xi32, #tpu.memory_space<hbm>> -> memref<512xi32, #tpu.memory_space<hbm>>
    %dma_wait3A_10 = tpu.memref_slice %arg3[%mul3A_2] : memref<16384xi32, #tpu.memory_space<hbm>> -> memref<512xi32, #tpu.memory_space<hbm>>
    tpu.wait_dma2 semaphore(%arg14 : memref<!tpu.dma_semaphore, #tpu.memory_space<semaphore_mem>>) src(%dma_wait3A_10 : memref<512xi32, #tpu.memory_space<hbm>>) dst(%arg8 : memref<512xi32, #tpu.memory_space<vmem>>)
    %dma_wait3A_11 = tpu.memref_slice %arg4[%mul3A_2] : memref<16384xi32, #tpu.memory_space<hbm>> -> memref<512xi32, #tpu.memory_space<hbm>>
    %dma_wait3A_12 = tpu.memref_slice %arg4[%mul3A_2] : memref<16384xi32, #tpu.memory_space<hbm>> -> memref<512xi32, #tpu.memory_space<hbm>>
    tpu.wait_dma2 semaphore(%arg14 : memref<!tpu.dma_semaphore, #tpu.memory_space<semaphore_mem>>) src(%dma_wait3A_12 : memref<512xi32, #tpu.memory_space<hbm>>) dst(%arg9 : memref<512xi32, #tpu.memory_space<vmem>>)
    %dma_wait3A_13 = tpu.memref_slice %arg5[%mul3A_2] : memref<16384xi32, #tpu.memory_space<hbm>> -> memref<512xi32, #tpu.memory_space<hbm>>
    %dma_wait3A_14 = tpu.memref_slice %arg5[%mul3A_2] : memref<16384xi32, #tpu.memory_space<hbm>> -> memref<512xi32, #tpu.memory_space<hbm>>
    tpu.wait_dma2 semaphore(%arg14 : memref<!tpu.dma_semaphore, #tpu.memory_space<semaphore_mem>>) src(%dma_wait3A_14 : memref<512xi32, #tpu.memory_space<hbm>>) dst(%arg10 : memref<512xi32, #tpu.memory_space<vmem>>)
    %dma_wait3A_15 = tpu.memref_slice %arg6[%mul3A_2] : memref<16384xi32, #tpu.memory_space<hbm>> -> memref<512xi32, #tpu.memory_space<hbm>>
    %dma_wait3A_16 = tpu.memref_slice %arg6[%mul3A_2] : memref<16384xi32, #tpu.memory_space<hbm>> -> memref<512xi32, #tpu.memory_space<hbm>>
    tpu.wait_dma2 semaphore(%arg14 : memref<!tpu.dma_semaphore, #tpu.memory_space<semaphore_mem>>) src(%dma_wait3A_16 : memref<512xi32, #tpu.memory_space<hbm>>) dst(%arg11 : memref<512xi32, #tpu.memory_space<vmem>>)
    %get3A = arith.constant 0 : index
    %get3A_17 = tpu.vector_load %arg8[%get3A] {strides = array<i32>} : memref<512xi32, #tpu.memory_space<vmem>>, vector<16xi32>,
    %get3A_18 = vector.shape_cast %get3A_17 : vector<16xi32> to vector<16xi32>
    %mul3A_19 = arith.constant 4 : i32
    %mul3A_20 = vector.broadcast %mul3A_19 : i32 to vector<16xi32>
    %mul3A_21 = arith.muli %get3A_18, %mul3A_20 : vector<16xi32>
    %get3A_22 = arith.constant 0 : index
    %get3A_23 = tpu.vector_load %arg9[%get3A_22] {strides = array<i32>} : memref<512xi32, #tpu.memory_space<vmem>>, vector<16xi32>,
    %get3A_24 = vector.shape_cast %get3A_23 : vector<16xi32> to vector<16xi32>
    %add3A_25 = arith.addi %mul3A_21, %get3A_24 : vector<16xi32>
    %mul3A_26 = arith.constant 2 : i32
    %mul3A_27 = vector.broadcast %mul3A_26 : i32 to vector<16xi32>
    %mul3A_28 = arith.muli %add3A_25, %mul3A_27 : vector<16xi32>
    %get3A_29 = arith.constant 0 : index
    %get3A_30 = tpu.vector_load %arg10[%get3A_29] {strides = array<i32>} : memref<512xi32, #tpu.memory_space<vmem>>, vector<16xi32>,
    %get3A_31 = vector.shape_cast %get3A_30 : vector<16xi32> to vector<16xi32>
    %add3A_32 = arith.addi %mul3A_28, %get3A_31 : vector<16xi32>
    %mul3A_33 = arith.constant 3 : i32
    %mul3A_34 = vector.broadcast %mul3A_33 : i32 to vector<16xi32>
    %mul3A_35 = arith.muli %add3A_32, %mul3A_34 : vector<16xi32>
    %get3A_36 = arith.constant 0 : index
    %get3A_37 = tpu.vector_load %arg11[%get3A_36] {strides = array<i32>} : memref<512xi32, #tpu.memory_space<vmem>>, vector<16xi32>,
    %get3A_38 = vector.shape_cast %get3A_37 : vector<16xi32> to vector<16xi32>
    %add3A_39 = arith.addi %mul3A_35, %get3A_38 : vector<16xi32>
    %swap3A = arith.constant 0 : index
    %swap3A_40 = tpu.vector_load %arg12[%swap3A] {strides = array<i32>} : memref<512xi32, #tpu.memory_space<vmem>>, vector<16xi32>,
    %swap3A_41 = vector.shape_cast %swap3A_40 : vector<16xi32> to vector<16xi32>
    %swap3A_42 = vector.shape_cast %add3A_39 : vector<16xi32> to vector<16xi32>
    tpu.vector_store %arg12[%swap3A], %swap3A_42 {strides = array<i32>} : memref<512xi32, #tpu.memory_space<vmem>>, vector<16xi32>,
    %get3A_43 = arith.constant 16 : index
    %get3A_44 = tpu.vector_load %arg8[%get3A_43] {strides = array<i32>} : memref<512xi32, #tpu.memory_space<vmem>>, vector<16xi32>,
    %get3A_45 = vector.shape_cast %get3A_44 : vector<16xi32> to vector<16xi32>
    %mul3A_46 = arith.constant 4 : i32
    %mul3A_47 = vector.broadcast %mul3A_46 : i32 to vector<16xi32>
    %mul3A_48 = arith.muli %get3A_45, %mul3A_47 : vector<16xi32>
    %get3A_49 = arith.constant 16 : index
    %get3A_50 = tpu.vector_load %arg9[%get3A_49] {strides = array<i32>} : memref<512xi32, #tpu.memory_space<vmem>>, vector<16xi32>,
    %get3A_51 = vector.shape_cast %get3A_50 : vector<16xi32> to vector<16xi32>
    %add3A_52 = arith.addi %mul3A_48, %get3A_51 : vector<16xi32>
    %mul3A_53 = arith.constant 2 : i32
    %mul3A_54 = vector.broadcast %mul3A_53 : i32 to vector<16xi32>
    %mul3A_55 = arith.muli %add3A_52, %mul3A_54 : vector<16xi32>
    %get3A_56 = arith.constant 16 : index
    %get3A_57 = tpu.vector_load %arg10[%get3A_56] {strides = array<i32>} : memref<512xi32, #tpu.memory_space<vmem>>, vector<16xi32>,
    %get3A_58 = vector.shape_cast %get3A_57 : vector<16xi32> to vector<16xi32>
    %add3A_59 = arith.addi %mul3A_55, %get3A_58 : vector<16xi32>
    %mul3A_60 = arith.constant 3 : i32
    %mul3A_61 = vector.broadcast %mul3A_60 : i32 to vector<16xi32>
    %mul3A_62 = arith.muli %add3A_59, %mul3A_61 : vector<16xi32>
    %get3A_63 = arith.constant 16 : index
    %get3A_64 = tpu.vector_load %arg11[%get3A_63] {strides = array<i32>} : memref<512xi32, #tpu.memory_space<vmem>>, vector<16xi32>,
    %get3A_65 = vector.shape_cast %get3A_64 : vector<16xi32> to vector<16xi32>
    %add3A_66 = arith.addi %mul3A_62, %get3A_65 : vector<16xi32>
    %swap3A_67 = arith.constant 16 : index
    %swap3A_68 = tpu.vector_load %arg12[%swap3A_67] {strides = array<i32>} : memref<512xi32, #tpu.memory_space<vmem>>, vector<16xi32>,
    %swap3A_69 = vector.shape_cast %swap3A_68 : vector<16xi32> to vector<16xi32>
    %swap3A_70 = vector.shape_cast %add3A_66 : vector<16xi32> to vector<16xi32>
    tpu.vector_store %arg12[%swap3A_67], %swap3A_70 {strides = array<i32>} : memref<512xi32, #tpu.memory_space<vmem>>, vector<16xi32>,
    %get3A_71 = arith.constant 32 : index
    %get3A_72 = tpu.vector_load %arg8[%get3A_71] {strides = array<i32>} : memref<512xi32, #tpu.memory_space<vmem>>, vector<16xi32>,
    %get3A_73 = vector.shape_cast %get3A_72 : vector<16xi32> to vector<16xi32>
    %mul3A_74 = arith.constant 4 : i32
    %mul3A_75 = vector.broadcast %mul3A_74 : i32 to vector<16xi32>
    %mul3A_76 = arith.muli %get3A_73, %mul3A_75 : vector<16xi32>
    %get3A_77 = arith.constant 32 : index
    %get3A_78 = tpu.vector_load %arg9[%get3A_77] {strides = array<i32>} : memref<512xi32, #tpu.memory_space<vmem>>, vector<16xi32>,
    %get3A_79 = vector.shape_cast %get3A_78 : vector<16xi32> to vector<16xi32>
    %add3A_80 = arith.addi %mul3A_76, %get3A_79 : vector<16xi32>
    %mul3A_81 = arith.constant 2 : i32
    %mul3A_82 = vector.broadcast %mul3A_81 : i32 to vector<16xi32>
    %mul3A_83 = arith.muli %add3A_80, %mul3A_82 : vector<16xi32>
    %get3A_84 = arith.constant 32 : index
    %get3A_85 = tpu.vector_load %arg10[%get3A_84] {strides = array<i32>} : memref<512xi32, #tpu.memory_space<vmem>>, vector<16xi32>,
    %get3A_86 = vector.shape_cast %get3A_85 : vector<16xi32> to vector<16xi32>
    %add3A_87 = arith.addi %mul3A_83, %get3A_86 : vector<16xi32>
    %mul3A_88 = arith.constant 3 : i32
    %mul3A_89 = vector.broadcast %mul3A_88 : i32 to vector<16xi32>
    %mul3A_90 = arith.muli %add3A_87, %mul3A_89 : vector<16xi32>
    %get3A_91 = arith.constant 32 : index
    %get3A_92 = tpu.vector_load %arg11[%get3A_91] {strides = array<i32>} : memref<512xi32, #tpu.memory_space<vmem>>, vector<16xi32>,
    %get3A_93 = vector.shape_cast %get3A_92 : vector<16xi32> to vector<16xi32>
    %add3A_94 = arith.addi %mul3A_90, %get3A_93 : vector<16xi32>
    %swap3A_95 = arith.constant 32 : index
    %swap3A_96 = tpu.vector_load %arg12[%swap3A_95] {strides = array<i32>} : memref<512xi32, #tpu.memory_space<vmem>>, vector<16xi32>,
    %swap3A_97 = vector.shape_cast %swap3A_96 : vector<16xi32> to vector<16xi32>
    %swap3A_98 = vector.shape_cast %add3A_94 : vector<16xi32> to vector<16xi32>
    tpu.vector_store %arg12[%swap3A_95], %swap3A_98 {strides = array<i32>} : memref<512xi32, #tpu.memory_space<vmem>>, vector<16xi32>,
    %get3A_99 = arith.constant 48 : index
    %get3A_100 = tpu.vector_load %arg8[%get3A_99] {strides = array<i32>} : memref<512xi32, #tpu.memory_space<vmem>>, vector<16xi32>,
    %get3A_101 = vector.shape_cast %get3A_100 : vector<16xi32> to vector<16xi32>
    %mul3A_102 = arith.constant 4 : i32
    %mul3A_103 = vector.broadcast %mul3A_102 : i32 to vector<16xi32>
    %mul3A_104 = arith.muli %get3A_101, %mul3A_103 : vector<16xi32>
    %get3A_105 = arith.constant 48 : index
    %get3A_106 = tpu.vector_load %arg9[%get3A_105] {strides = array<i32>} : memref<512xi32, #tpu.memory_space<vmem>>, vector<16xi32>,
    %get3A_107 = vector.shape_cast %get3A_106 : vector<16xi32> to vector<16xi32>
    %add3A_108 = arith.addi %mul3A_104, %get3A_107 : vector<16xi32>
    %mul3A_109 = arith.constant 2 : i32
    %mul3A_110 = vector.broadcast %mul3A_109 : i32 to vector<16xi32>
    %mul3A_111 = arith.muli %add3A_108, %mul3A_110 : vector<16xi32>
    %get3A_112 = arith.constant 48 : index
    %get3A_113 = tpu.vector_load %arg10[%get3A_112] {strides = array<i32>} : memref<512xi32, #tpu.memory_space<vmem>>, vector<16xi32>,
    %get3A_114 = vector.shape_cast %get3A_113 : vector<16xi32> to vector<16xi32>
    %add3A_115 = arith.addi %mul3A_111, %get3A_114 : vector<16xi32>
    %mul3A_116 = arith.constant 3 : i32
    %mul3A_117 = vector.broadcast %mul3A_116 : i32 to vector<16xi32>
    %mul3A_118 = arith.muli %add3A_115, %mul3A_117 : vector<16xi32>
    %get3A_119 = arith.constant 48 : index
    %get3A_120 = tpu.vector_load %arg11[%get3A_119] {strides = array<i32>} : memref<512xi32, #tpu.memory_space<vmem>>, vector<16xi32>,
    %get3A_121 = vector.shape_cast %get3A_120 : vector<16xi32> to vector<16xi32>
    %add3A_122 = arith.addi %mul3A_118, %get3A_121 : vector<16xi32>
    %swap3A_123 = arith.constant 48 : index
    %swap3A_124 = tpu.vector_load %arg12[%swap3A_123] {strides = array<i32>} : memref<512xi32, #tpu.memory_space<vmem>>, vector<16xi32>,
    %swap3A_125 = vector.shape_cast %swap3A_124 : vector<16xi32> to vector<16xi32>
    %swap3A_126 = vector.shape_cast %add3A_122 : vector<16xi32> to vector<16xi32>
    tpu.vector_store %arg12[%swap3A_123], %swap3A_126 {strides = array<i32>} : memref<512xi32, #tpu.memory_space<vmem>>, vector<16xi32>,
    %get3A_127 = arith.constant 64 : index
    %get3A_128 = tpu.vector_load %arg8[%get3A_127] {strides = array<i32>} : memref<512xi32, #tpu.memory_space<vmem>>, vector<16xi32>,
    %get3A_129 = vector.shape_cast %get3A_128 : vector<16xi32> to vector<16xi32>
    %mul3A_130 = arith.constant 4 : i32
    %mul3A_131 = vector.broadcast %mul3A_130 : i32 to vector<16xi32>
    %mul3A_132 = arith.muli %get3A_129, %mul3A_131 : vector<16xi32>
    %get3A_133 = arith.constant 64 : index
    %get3A_134 = tpu.vector_load %arg9[%get3A_133] {strides = array<i32>} : memref<512xi32, #tpu.memory_space<vmem>>, vector<16xi32>,
    %get3A_135 = vector.shape_cast %get3A_134 : vector<16xi32> to vector<16xi32>
    %add3A_136 = arith.addi %mul3A_132, %get3A_135 : vector<16xi32>
    %mul3A_137 = arith.constant 2 : i32
    %mul3A_138 = vector.broadcast %mul3A_137 : i32 to vector<16xi32>
    %mul3A_139 = arith.muli %add3A_136, %mul3A_138 : vector<16xi32>
    %get3A_140 = arith.constant 64 : index
    %get3A_141 = tpu.vector_load %arg10[%get3A_140] {strides = array<i32>} : memref<512xi32, #tpu.memory_space<vmem>>, vector<16xi32>,
    %get3A_142 = vector.shape_cast %get3A_141 : vector<16xi32> to vector<16xi32>
    %add3A_143 = arith.addi %mul3A_139, %get3A_142 : vector<16xi32>
    %mul3A_144 = arith.constant 3 : i32
    %mul3A_145 = vector.broadcast %mul3A_144 : i32 to vector<16xi32>
    %mul3A_146 = arith.muli %add3A_143, %mul3A_145 : vector<16xi32>
    %get3A_147 = arith.constant 64 : index
    %get3A_148 = tpu.vector_load %arg11[%get3A_147] {strides = array<i32>} : memref<512xi32, #tpu.memory_space<vmem>>, vector<16xi32>,
    %get3A_149 = vector.shape_cast %get3A_148 : vector<16xi32> to vector<16xi32>
    %add3A_150 = arith.addi %mul3A_146, %get3A_149 : vector<16xi32>
    %swap3A_151 = arith.constant 64 : index
    %swap3A_152 = tpu.vector_load %arg12[%swap3A_151] {strides = array<i32>} : memref<512xi32, #tpu.memory_space<vmem>>, vector<16xi32>,
    %swap3A_153 = vector.shape_cast %swap3A_152 : vector<16xi32> to vector<16xi32>
    %swap3A_154 = vector.shape_cast %add3A_150 : vector<16xi32> to vector<16xi32>
    tpu.vector_store %arg12[%swap3A_151], %swap3A_154 {strides = array<i32>} : memref<512xi32, #tpu.memory_space<vmem>>, vector<16xi32>,
    %get3A_155 = arith.constant 80 : index
    %get3A_156 = tpu.vector_load %arg8[%get3A_155] {strides = array<i32>} : memref<512xi32, #tpu.memory_space<vmem>>, vector<16xi32>,
    %get3A_157 = vector.shape_cast %get3A_156 : vector<16xi32> to vector<16xi32>
    %mul3A_158 = arith.constant 4 : i32
    %mul3A_159 = vector.broadcast %mul3A_158 : i32 to vector<16xi32>
    %mul3A_160 = arith.muli %get3A_157, %mul3A_159 : vector<16xi32>
    %get3A_161 = arith.constant 80 : index
    %get3A_162 = tpu.vector_load %arg9[%get3A_161] {strides = array<i32>} : memref<512xi32, #tpu.memory_space<vmem>>, vector<16xi32>,
    %get3A_163 = vector.shape_cast %get3A_162 : vector<16xi32> to vector<16xi32>
    %add3A_164 = arith.addi %mul3A_160, %get3A_163 : vector<16xi32>
    %mul3A_165 = arith.constant 2 : i32
    %mul3A_166 = vector.broadcast %mul3A_165 : i32 to vector<16xi32>
    %mul3A_167 = arith.muli %add3A_164, %mul3A_166 : vector<16xi32>
    %get3A_168 = arith.constant 80 : index
    %get3A_169 = tpu.vector_load %arg10[%get3A_168] {strides = array<i32>} : memref<512xi32, #tpu.memory_space<vmem>>, vector<16xi32>,
    %get3A_170 = vector.shape_cast %get3A_169 : vector<16xi32> to vector<16xi32>
    %add3A_171 = arith.addi %mul3A_167, %get3A_170 : vector<16xi32>
    %mul3A_172 = arith.constant 3 : i32
    %mul3A_173 = vector.broadcast %mul3A_172 : i32 to vector<16xi32>
    %mul3A_174 = arith.muli %add3A_171, %mul3A_173 : vector<16xi32>
    %get3A_175 = arith.constant 80 : index
    %get3A_176 = tpu.vector_load %arg11[%get3A_175] {strides = array<i32>} : memref<512xi32, #tpu.memory_space<vmem>>, vector<16xi32>,
    %get3A_177 = vector.shape_cast %get3A_176 : vector<16xi32> to vector<16xi32>
    %add3A_178 = arith.addi %mul3A_174, %get3A_177 : vector<16xi32>
    %swap3A_179 = arith.constant 80 : index
    %swap3A_180 = tpu.vector_load %arg12[%swap3A_179] {strides = array<i32>} : memref<512xi32, #tpu.memory_space<vmem>>, vector<16xi32>,
    %swap3A_181 = vector.shape_cast %swap3A_180 : vector<16xi32> to vector<16xi32>
    %swap3A_182 = vector.shape_cast %add3A_178 : vector<16xi32> to vector<16xi32>
    tpu.vector_store %arg12[%swap3A_179], %swap3A_182 {strides = array<i32>} : memref<512xi32, #tpu.memory_space<vmem>>, vector<16xi32>,
    %get3A_183 = arith.constant 96 : index
    %get3A_184 = tpu.vector_load %arg8[%get3A_183] {strides = array<i32>} : memref<512xi32, #tpu.memory_space<vmem>>, vector<16xi32>,
    %get3A_185 = vector.shape_cast %get3A_184 : vector<16xi32> to vector<16xi32>
    %mul3A_186 = arith.constant 4 : i32
    %mul3A_187 = vector.broadcast %mul3A_186 : i32 to vector<16xi32>
    %mul3A_188 = arith.muli %get3A_185, %mul3A_187 : vector<16xi32>
    %get3A_189 = arith.constant 96 : index
    %get3A_190 = tpu.vector_load %arg9[%get3A_189] {strides = array<i32>} : memref<512xi32, #tpu.memory_space<vmem>>, vector<16xi32>,
    %get3A_191 = vector.shape_cast %get3A_190 : vector<16xi32> to vector<16xi32>
    %add3A_192 = arith.addi %mul3A_188, %get3A_191 : vector<16xi32>
    %mul3A_193 = arith.constant 2 : i32
    %mul3A_194 = vector.broadcast %mul3A_193 : i32 to vector<16xi32>
    %mul3A_195 = arith.muli %add3A_192, %mul3A_194 : vector<16xi32>
    %get3A_196 = arith.constant 96 : index
    %get3A_197 = tpu.vector_load %arg10[%get3A_196] {strides = array<i32>} : memref<512xi32, #tpu.memory_space<vmem>>, vector<16xi32>,
    %get3A_198 = vector.shape_cast %get3A_197 : vector<16xi32> to vector<16xi32>
    %add3A_199 = arith.addi %mul3A_195, %get3A_198 : vector<16xi32>
    %mul3A_200 = arith.constant 3 : i32
    %mul3A_201 = vector.broadcast %mul3A_200 : i32 to vector<16xi32>
    %mul3A_202 = arith.muli %add3A_199, %mul3A_201 : vector<16xi32>
    %get3A_203 = arith.constant 96 : index
    %get3A_204 = tpu.vector_load %arg11[%get3A_203] {strides = array<i32>} : memref<512xi32, #tpu.memory_space<vmem>>, vector<16xi32>,
    %get3A_205 = vector.shape_cast %get3A_204 : vector<16xi32> to vector<16xi32>
    %add3A_206 = arith.addi %mul3A_202, %get3A_205 : vector<16xi32>
    %swap3A_207 = arith.constant 96 : index
    %swap3A_208 = tpu.vector_load %arg12[%swap3A_207] {strides = array<i32>} : memref<512xi32, #tpu.memory_space<vmem>>, vector<16xi32>,
    %swap3A_209 = vector.shape_cast %swap3A_208 : vector<16xi32> to vector<16xi32>
    %swap3A_210 = vector.shape_cast %add3A_206 : vector<16xi32> to vector<16xi32>
    tpu.vector_store %arg12[%swap3A_207], %swap3A_210 {strides = array<i32>} : memref<512xi32, #tpu.memory_space<vmem>>, vector<16xi32>,
    %get3A_211 = arith.constant 112 : index
    %get3A_212 = tpu.vector_load %arg8[%get3A_211] {strides = array<i32>} : memref<512xi32, #tpu.memory_space<vmem>>, vector<16xi32>,
    %get3A_213 = vector.shape_cast %get3A_212 : vector<16xi32> to vector<16xi32>
    %mul3A_214 = arith.constant 4 : i32
    %mul3A_215 = vector.broadcast %mul3A_214 : i32 to vector<16xi32>
    %mul3A_216 = arith.muli %get3A_213, %mul3A_215 : vector<16xi32>
    %get3A_217 = arith.constant 112 : index
    %get3A_218 = tpu.vector_load %arg9[%get3A_217] {strides = array<i32>} : memref<512xi32, #tpu.memory_space<vmem>>, vector<16xi32>,
    %get3A_219 = vector.shape_cast %get3A_218 : vector<16xi32> to vector<16xi32>
    %add3A_220 = arith.addi %mul3A_216, %get3A_219 : vector<16xi32>
    %mul3A_221 = arith.constant 2 : i32
    %mul3A_222 = vector.broadcast %mul3A_221 : i32 to vector<16xi32>
    %mul3A_223 = arith.muli %add3A_220, %mul3A_222 : vector<16xi32>
    %get3A_224 = arith.constant 112 : index
    %get3A_225 = tpu.vector_load %arg10[%get3A_224] {strides = array<i32>} : memref<512xi32, #tpu.memory_space<vmem>>, vector<16xi32>,
    %get3A_226 = vector.shape_cast %get3A_225 : vector<16xi32> to vector<16xi32>
    %add3A_227 = arith.addi %mul3A_223, %get3A_226 : vector<16xi32>
    %mul3A_228 = arith.constant 3 : i32
    %mul3A_229 = vector.broadcast %mul3A_228 : i32 to vector<16xi32>
    %mul3A_230 = arith.muli %add3A_227, %mul3A_229 : vector<16xi32>
    %get3A_231 = arith.constant 112 : index
    %get3A_232 = tpu.vector_load %arg11[%get3A_231] {strides = array<i32>} : memref<512xi32, #tpu.memory_space<vmem>>, vector<16xi32>,
    %get3A_233 = vector.shape_cast %get3A_232 : vector<16xi32> to vector<16xi32>
    %add3A_234 = arith.addi %mul3A_230, %get3A_233 : vector<16xi32>
    %swap3A_235 = arith.constant 112 : index
    %swap3A_236 = tpu.vector_load %arg12[%swap3A_235] {strides = array<i32>} : memref<512xi32, #tpu.memory_space<vmem>>, vector<16xi32>,
    %swap3A_237 = vector.shape_cast %swap3A_236 : vector<16xi32> to vector<16xi32>
    %swap3A_238 = vector.shape_cast %add3A_234 : vector<16xi32> to vector<16xi32>
    tpu.vector_store %arg12[%swap3A_235], %swap3A_238 {strides = array<i32>} : memref<512xi32, #tpu.memory_space<vmem>>, vector<16xi32>,
    %dma_start3A_239 = arith.constant 0 : i32
    %dma_start3A_240 = arith.constant 0 : i32
    %dma_start3A_241 = tpu.memref_slice %arg13[%dma_start3A_239, %dma_start3A_240] : memref<512x128xf32, #tpu.memory_space<vmem>> -> memref<128x128xf32, #tpu.memory_space<vmem>>
    %dma_start3A_242 = arith.constant 0 : i32
    %dma_start3A_243 = tpu.memref_slice %arg12[%dma_start3A_242] : memref<512xi32, #tpu.memory_space<vmem>> -> memref<128xi32, #tpu.memory_space<vmem>>
    %dma_start3A_244 = arith.constant 0 : i32
    %dma_start3A_245 = arith.constant 0 : i32
    %dma_start3A_246 = tpu.memref_slice %arg2[%dma_start3A_244, %dma_start3A_245] : memref<96x128xf32, #tpu.memory_space<hbm>> -> memref<96x128xf32, #tpu.memory_space<hbm>>
    tpu.enqueue_indirect_dma source(%dma_start3A_246 : memref<96x128xf32, #tpu.memory_space<hbm>>) target(%dma_start3A_241 : memref<128x128xf32, #tpu.memory_space<vmem>>) offsets(%dma_start3A_243 : memref<128xi32, #tpu.memory_space<vmem>>) semaphore(%arg14 : memref<!tpu.dma_semaphore, #tpu.memory_space<semaphore_mem>>)
    %get3A_247 = arith.constant 128 : index
    %get3A_248 = tpu.vector_load %arg8[%get3A_247] {strides = array<i32>} : memref<512xi32, #tpu.memory_space<vmem>>, vector<16xi32>,
    %get3A_249 = vector.shape_cast %get3A_248 : vector<16xi32> to vector<16xi32>
    %mul3A_250 = arith.constant 4 : i32
    %mul3A_251 = vector.broadcast %mul3A_250 : i32 to vector<16xi32>
    %mul3A_252 = arith.muli %get3A_249, %mul3A_251 : vector<16xi32>
    %get3A_253 = arith.constant 128 : index
    %get3A_254 = tpu.vector_load %arg9[%get3A_253] {strides = array<i32>} : memref<512xi32, #tpu.memory_space<vmem>>, vector<16xi32>,
    %get3A_255 = vector.shape_cast %get3A_254 : vector<16xi32> to vector<16xi32>
    %add3A_256 = arith.addi %mul3A_252, %get3A_255 : vector<16xi32>
    %mul3A_257 = arith.constant 2 : i32
    %mul3A_258 = vector.broadcast %mul3A_257 : i32 to vector<16xi32>
    %mul3A_259 = arith.muli %add3A_256, %mul3A_258 : vector<16xi32>
    %get3A_260 = arith.constant 128 : index
    %get3A_261 = tpu.vector_load %arg10[%get3A_260] {strides = array<i32>} : memref<512xi32, #tpu.memory_space<vmem>>, vector<16xi32>,
    %get3A_262 = vector.shape_cast %get3A_261 : vector<16xi32> to vector<16xi32>
    %add3A_263 = arith.addi %mul3A_259, %get3A_262 : vector<16xi32>
    %mul3A_264 = arith.constant 3 : i32
    %mul3A_265 = vector.broadcast %mul3A_264 : i32 to vector<16xi32>
    %mul3A_266 = arith.muli %add3A_263, %mul3A_265 : vector<16xi32>
    %get3A_267 = arith.constant 128 : index
    %get3A_268 = tpu.vector_load %arg11[%get3A_267] {strides = array<i32>} : memref<512xi32, #tpu.memory_space<vmem>>, vector<16xi32>,
    %get3A_269 = vector.shape_cast %get3A_268 : vector<16xi32> to vector<16xi32>
    %add3A_270 = arith.addi %mul3A_266, %get3A_269 : vector<16xi32>
    %swap3A_271 = arith.constant 128 : index
    %swap3A_272 = tpu.vector_load %arg12[%swap3A_271] {strides = array<i32>} : memref<512xi32, #tpu.memory_space<vmem>>, vector<16xi32>,
    %swap3A_273 = vector.shape_cast %swap3A_272 : vector<16xi32> to vector<16xi32>
    %swap3A_274 = vector.shape_cast %add3A_270 : vector<16xi32> to vector<16xi32>
    tpu.vector_store %arg12[%swap3A_271], %swap3A_274 {strides = array<i32>} : memref<512xi32, #tpu.memory_space<vmem>>, vector<16xi32>,
    %get3A_275 = arith.constant 144 : index
    %get3A_276 = tpu.vector_load %arg8[%get3A_275] {strides = array<i32>} : memref<512xi32, #tpu.memory_space<vmem>>, vector<16xi32>,
    %get3A_277 = vector.shape_cast %get3A_276 : vector<16xi32> to vector<16xi32>
    %mul3A_278 = arith.constant 4 : i32
    %mul3A_279 = vector.broadcast %mul3A_278 : i32 to vector<16xi32>
    %mul3A_280 = arith.muli %get3A_277, %mul3A_279 : vector<16xi32>
    %get3A_281 = arith.constant 144 : index
    %get3A_282 = tpu.vector_load %arg9[%get3A_281] {strides = array<i32>} : memref<512xi32, #tpu.memory_space<vmem>>, vector<16xi32>,
    %get3A_283 = vector.shape_cast %get3A_282 : vector<16xi32> to vector<16xi32>
    %add3A_284 = arith.addi %mul3A_280, %get3A_283 : vector<16xi32>
    %mul3A_285 = arith.constant 2 : i32
    %mul3A_286 = vector.broadcast %mul3A_285 : i32 to vector<16xi32>
    %mul3A_287 = arith.muli %add3A_284, %mul3A_286 : vector<16xi32>
    %get3A_288 = arith.constant 144 : index
    %get3A_289 = tpu.vector_load %arg10[%get3A_288] {strides = array<i32>} : memref<512xi32, #tpu.memory_space<vmem>>, vector<16xi32>,
    %get3A_290 = vector.shape_cast %get3A_289 : vector<16xi32> to vector<16xi32>
    %add3A_291 = arith.addi %mul3A_287, %get3A_290 : vector<16xi32>
    %mul3A_292 = arith.constant 3 : i32
    %mul3A_293 = vector.broadcast %mul3A_292 : i32 to vector<16xi32>
    %mul3A_294 = arith.muli %add3A_291, %mul3A_293 : vector<16xi32>
    %get3A_295 = arith.constant 144 : index
    %get3A_296 = tpu.vector_load %arg11[%get3A_295] {strides = array<i32>} : memref<512xi32, #tpu.memory_space<vmem>>, vector<16xi32>,
    %get3A_297 = vector.shape_cast %get3A_296 : vector<16xi32> to vector<16xi32>
    %add3A_298 = arith.addi %mul3A_294, %get3A_297 : vector<16xi32>
    %swap3A_299 = arith.constant 144 : index
    %swap3A_300 = tpu.vector_load %arg12[%swap3A_299] {strides = array<i32>} : memref<512xi32, #tpu.memory_space<vmem>>, vector<16xi32>,
    %swap3A_301 = vector.shape_cast %swap3A_300 : vector<16xi32> to vector<16xi32>
    %swap3A_302 = vector.shape_cast %add3A_298 : vector<16xi32> to vector<16xi32>
    tpu.vector_store %arg12[%swap3A_299], %swap3A_302 {strides = array<i32>} : memref<512xi32, #tpu.memory_space<vmem>>, vector<16xi32>,
    %get3A_303 = arith.constant 160 : index
    %get3A_304 = tpu.vector_load %arg8[%get3A_303] {strides = array<i32>} : memref<512xi32, #tpu.memory_space<vmem>>, vector<16xi32>,
    %get3A_305 = vector.shape_cast %get3A_304 : vector<16xi32> to vector<16xi32>
    %mul3A_306 = arith.constant 4 : i32
    %mul3A_307 = vector.broadcast %mul3A_306 : i32 to vector<16xi32>
    %mul3A_308 = arith.muli %get3A_305, %mul3A_307 : vector<16xi32>
    %get3A_309 = arith.constant 160 : index
    %get3A_310 = tpu.vector_load %arg9[%get3A_309] {strides = array<i32>} : memref<512xi32, #tpu.memory_space<vmem>>, vector<16xi32>,
    %get3A_311 = vector.shape_cast %get3A_310 : vector<16xi32> to vector<16xi32>
    %add3A_312 = arith.addi %mul3A_308, %get3A_311 : vector<16xi32>
    %mul3A_313 = arith.constant 2 : i32
    %mul3A_314 = vector.broadcast %mul3A_313 : i32 to vector<16xi32>
    %mul3A_315 = arith.muli %add3A_312, %mul3A_314 : vector<16xi32>
    %get3A_316 = arith.constant 160 : index
    %get3A_317 = tpu.vector_load %arg10[%get3A_316] {strides = array<i32>} : memref<512xi32, #tpu.memory_space<vmem>>, vector<16xi32>,
    %get3A_318 = vector.shape_cast %get3A_317 : vector<16xi32> to vector<16xi32>
    %add3A_319 = arith.addi %mul3A_315, %get3A_318 : vector<16xi32>
    %mul3A_320 = arith.constant 3 : i32
    %mul3A_321 = vector.broadcast %mul3A_320 : i32 to vector<16xi32>
    %mul3A_322 = arith.muli %add3A_319, %mul3A_321 : vector<16xi32>
    %get3A_323 = arith.constant 160 : index
    %get3A_324 = tpu.vector_load %arg11[%get3A_323] {strides = array<i32>} : memref<512xi32, #tpu.memory_space<vmem>>, vector<16xi32>,
    %get3A_325 = vector.shape_cast %get3A_324 : vector<16xi32> to vector<16xi32>
    %add3A_326 = arith.addi %mul3A_322, %get3A_325 : vector<16xi32>
    %swap3A_327 = arith.constant 160 : index
    %swap3A_328 = tpu.vector_load %arg12[%swap3A_327] {strides = array<i32>} : memref<512xi32, #tpu.memory_space<vmem>>, vector<16xi32>,
    %swap3A_329 = vector.shape_cast %swap3A_328 : vector<16xi32> to vector<16xi32>
    %swap3A_330 = vector.shape_cast %add3A_326 : vector<16xi32> to vector<16xi32>
    tpu.vector_store %arg12[%swap3A_327], %swap3A_330 {strides = array<i32>} : memref<512xi32, #tpu.memory_space<vmem>>, vector<16xi32>,
    %get3A_331 = arith.constant 176 : index
    %get3A_332 = tpu.vector_load %arg8[%get3A_331] {strides = array<i32>} : memref<512xi32, #tpu.memory_space<vmem>>, vector<16xi32>,
    %get3A_333 = vector.shape_cast %get3A_332 : vector<16xi32> to vector<16xi32>
    %mul3A_334 = arith.constant 4 : i32
    %mul3A_335 = vector.broadcast %mul3A_334 : i32 to vector<16xi32>
    %mul3A_336 = arith.muli %get3A_333, %mul3A_335 : vector<16xi32>
    %get3A_337 = arith.constant 176 : index
    %get3A_338 = tpu.vector_load %arg9[%get3A_337] {strides = array<i32>} : memref<512xi32, #tpu.memory_space<vmem>>, vector<16xi32>,
    %get3A_339 = vector.shape_cast %get3A_338 : vector<16xi32> to vector<16xi32>
    %add3A_340 = arith.addi %mul3A_336, %get3A_339 : vector<16xi32>
    %mul3A_341 = arith.constant 2 : i32
    %mul3A_342 = vector.broadcast %mul3A_341 : i32 to vector<16xi32>
    %mul3A_343 = arith.muli %add3A_340, %mul3A_342 : vector<16xi32>
    %get3A_344 = arith.constant 176 : index
    %get3A_345 = tpu.vector_load %arg10[%get3A_344] {strides = array<i32>} : memref<512xi32, #tpu.memory_space<vmem>>, vector<16xi32>,
    %get3A_346 = vector.shape_cast %get3A_345 : vector<16xi32> to vector<16xi32>
    %add3A_347 = arith.addi %mul3A_343, %get3A_346 : vector<16xi32>
    %mul3A_348 = arith.constant 3 : i32
    %mul3A_349 = vector.broadcast %mul3A_348 : i32 to vector<16xi32>
    %mul3A_350 = arith.muli %add3A_347, %mul3A_349 : vector<16xi32>
    %get3A_351 = arith.constant 176 : index
    %get3A_352 = tpu.vector_load %arg11[%get3A_351] {strides = array<i32>} : memref<512xi32, #tpu.memory_space<vmem>>, vector<16xi32>,
    %get3A_353 = vector.shape_cast %get3A_352 : vector<16xi32> to vector<16xi32>
    %add3A_354 = arith.addi %mul3A_350, %get3A_353 : vector<16xi32>
    %swap3A_355 = arith.constant 176 : index
    %swap3A_356 = tpu.vector_load %arg12[%swap3A_355] {strides = array<i32>} : memref<512xi32, #tpu.memory_space<vmem>>, vector<16xi32>,
    %swap3A_357 = vector.shape_cast %swap3A_356 : vector<16xi32> to vector<16xi32>
    %swap3A_358 = vector.shape_cast %add3A_354 : vector<16xi32> to vector<16xi32>
    tpu.vector_store %arg12[%swap3A_355], %swap3A_358 {strides = array<i32>} : memref<512xi32, #tpu.memory_space<vmem>>, vector<16xi32>,
    %get3A_359 = arith.constant 192 : index
    %get3A_360 = tpu.vector_load %arg8[%get3A_359] {strides = array<i32>} : memref<512xi32, #tpu.memory_space<vmem>>, vector<16xi32>,
    %get3A_361 = vector.shape_cast %get3A_360 : vector<16xi32> to vector<16xi32>
    %mul3A_362 = arith.constant 4 : i32
    %mul3A_363 = vector.broadcast %mul3A_362 : i32 to vector<16xi32>
    %mul3A_364 = arith.muli %get3A_361, %mul3A_363 : vector<16xi32>
    %get3A_365 = arith.constant 192 : index
    %get3A_366 = tpu.vector_load %arg9[%get3A_365] {strides = array<i32>} : memref<512xi32, #tpu.memory_space<vmem>>, vector<16xi32>,
    %get3A_367 = vector.shape_cast %get3A_366 : vector<16xi32> to vector<16xi32>
    %add3A_368 = arith.addi %mul3A_364, %get3A_367 : vector<16xi32>
    %mul3A_369 = arith.constant 2 : i32
    %mul3A_370 = vector.broadcast %mul3A_369 : i32 to vector<16xi32>
    %mul3A_371 = arith.muli %add3A_368, %mul3A_370 : vector<16xi32>
    %get3A_372 = arith.constant 192 : index
    %get3A_373 = tpu.vector_load %arg10[%get3A_372] {strides = array<i32>} : memref<512xi32, #tpu.memory_space<vmem>>, vector<16xi32>,
    %get3A_374 = vector.shape_cast %get3A_373 : vector<16xi32> to vector<16xi32>
    %add3A_375 = arith.addi %mul3A_371, %get3A_374 : vector<16xi32>
    %mul3A_376 = arith.constant 3 : i32
    %mul3A_377 = vector.broadcast %mul3A_376 : i32 to vector<16xi32>
    %mul3A_378 = arith.muli %add3A_375, %mul3A_377 : vector<16xi32>
    %get3A_379 = arith.constant 192 : index
    %get3A_380 = tpu.vector_load %arg11[%get3A_379] {strides = array<i32>} : memref<512xi32, #tpu.memory_space<vmem>>, vector<16xi32>,
    %get3A_381 = vector.shape_cast %get3A_380 : vector<16xi32> to vector<16xi32>
    %add3A_382 = arith.addi %mul3A_378, %get3A_381 : vector<16xi32>
    %swap3A_383 = arith.constant 192 : index
    %swap3A_384 = tpu.vector_load %arg12[%swap3A_383] {strides = array<i32>} : memref<512xi32, #tpu.memory_space<vmem>>, vector<16xi32>,
    %swap3A_385 = vector.shape_cast %swap3A_384 : vector<16xi32> to vector<16xi32>
    %swap3A_386 = vector.shape_cast %add3A_382 : vector<16xi32> to vector<16xi32>
    tpu.vector_store %arg12[%swap3A_383], %swap3A_386 {strides = array<i32>} : memref<512xi32, #tpu.memory_space<vmem>>, vector<16xi32>,
    %get3A_387 = arith.constant 208 : index
    %get3A_388 = tpu.vector_load %arg8[%get3A_387] {strides = array<i32>} : memref<512xi32, #tpu.memory_space<vmem>>, vector<16xi32>,
    %get3A_389 = vector.shape_cast %get3A_388 : vector<16xi32> to vector<16xi32>
    %mul3A_390 = arith.constant 4 : i32
    %mul3A_391 = vector.broadcast %mul3A_390 : i32 to vector<16xi32>
    %mul3A_392 = arith.muli %get3A_389, %mul3A_391 : vector<16xi32>
    %get3A_393 = arith.constant 208 : index
    %get3A_394 = tpu.vector_load %arg9[%get3A_393] {strides = array<i32>} : memref<512xi32, #tpu.memory_space<vmem>>, vector<16xi32>,
    %get3A_395 = vector.shape_cast %get3A_394 : vector<16xi32> to vector<16xi32>
    %add3A_396 = arith.addi %mul3A_392, %get3A_395 : vector<16xi32>
    %mul3A_397 = arith.constant 2 : i32
    %mul3A_398 = vector.broadcast %mul3A_397 : i32 to vector<16xi32>
    %mul3A_399 = arith.muli %add3A_396, %mul3A_398 : vector<16xi32>
    %get3A_400 = arith.constant 208 : index
    %get3A_401 = tpu.vector_load %arg10[%get3A_400] {strides = array<i32>} : memref<512xi32, #tpu.memory_space<vmem>>, vector<16xi32>,
    %get3A_402 = vector.shape_cast %get3A_401 : vector<16xi32> to vector<16xi32>
    %add3A_403 = arith.addi %mul3A_399, %get3A_402 : vector<16xi32>
    %mul3A_404 = arith.constant 3 : i32
    %mul3A_405 = vector.broadcast %mul3A_404 : i32 to vector<16xi32>
    %mul3A_406 = arith.muli %add3A_403, %mul3A_405 : vector<16xi32>
    %get3A_407 = arith.constant 208 : index
    %get3A_408 = tpu.vector_load %arg11[%get3A_407] {strides = array<i32>} : memref<512xi32, #tpu.memory_space<vmem>>, vector<16xi32>,
    %get3A_409 = vector.shape_cast %get3A_408 : vector<16xi32> to vector<16xi32>
    %add3A_410 = arith.addi %mul3A_406, %get3A_409 : vector<16xi32>
    %swap3A_411 = arith.constant 208 : index
    %swap3A_412 = tpu.vector_load %arg12[%swap3A_411] {strides = array<i32>} : memref<512xi32, #tpu.memory_space<vmem>>, vector<16xi32>,
    %swap3A_413 = vector.shape_cast %swap3A_412 : vector<16xi32> to vector<16xi32>
    %swap3A_414 = vector.shape_cast %add3A_410 : vector<16xi32> to vector<16xi32>
    tpu.vector_store %arg12[%swap3A_411], %swap3A_414 {strides = array<i32>} : memref<512xi32, #tpu.memory_space<vmem>>, vector<16xi32>,
    %get3A_415 = arith.constant 224 : index
    %get3A_416 = tpu.vector_load %arg8[%get3A_415] {strides = array<i32>} : memref<512xi32, #tpu.memory_space<vmem>>, vector<16xi32>,
    %get3A_417 = vector.shape_cast %get3A_416 : vector<16xi32> to vector<16xi32>
    %mul3A_418 = arith.constant 4 : i32
    %mul3A_419 = vector.broadcast %mul3A_418 : i32 to vector<16xi32>
    %mul3A_420 = arith.muli %get3A_417, %mul3A_419 : vector<16xi32>
    %get3A_421 = arith.constant 224 : index
    %get3A_422 = tpu.vector_load %arg9[%get3A_421] {strides = array<i32>} : memref<512xi32, #tpu.memory_space<vmem>>, vector<16xi32>,
    %get3A_423 = vector.shape_cast %get3A_422 : vector<16xi32> to vector<16xi32>
    %add3A_424 = arith.addi %mul3A_420, %get3A_423 : vector<16xi32>
    %mul3A_425 = arith.constant 2 : i32
    %mul3A_426 = vector.broadcast %mul3A_425 : i32 to vector<16xi32>
    %mul3A_427 = arith.muli %add3A_424, %mul3A_426 : vector<16xi32>
    %get3A_428 = arith.constant 224 : index
    %get3A_429 = tpu.vector_load %arg10[%get3A_428] {strides = array<i32>} : memref<512xi32, #tpu.memory_space<vmem>>, vector<16xi32>,
    %get3A_430 = vector.shape_cast %get3A_429 : vector<16xi32> to vector<16xi32>
    %add3A_431 = arith.addi %mul3A_427, %get3A_430 : vector<16xi32>
    %mul3A_432 = arith.constant 3 : i32
    %mul3A_433 = vector.broadcast %mul3A_432 : i32 to vector<16xi32>
    %mul3A_434 = arith.muli %add3A_431, %mul3A_433 : vector<16xi32>
    %get3A_435 = arith.constant 224 : index
    %get3A_436 = tpu.vector_load %arg11[%get3A_435] {strides = array<i32>} : memref<512xi32, #tpu.memory_space<vmem>>, vector<16xi32>,
    %get3A_437 = vector.shape_cast %get3A_436 : vector<16xi32> to vector<16xi32>
    %add3A_438 = arith.addi %mul3A_434, %get3A_437 : vector<16xi32>
    %swap3A_439 = arith.constant 224 : index
    %swap3A_440 = tpu.vector_load %arg12[%swap3A_439] {strides = array<i32>} : memref<512xi32, #tpu.memory_space<vmem>>, vector<16xi32>,
    %swap3A_441 = vector.shape_cast %swap3A_440 : vector<16xi32> to vector<16xi32>
    %swap3A_442 = vector.shape_cast %add3A_438 : vector<16xi32> to vector<16xi32>
    tpu.vector_store %arg12[%swap3A_439], %swap3A_442 {strides = array<i32>} : memref<512xi32, #tpu.memory_space<vmem>>, vector<16xi32>,
    %get3A_443 = arith.constant 240 : index
    %get3A_444 = tpu.vector_load %arg8[%get3A_443] {strides = array<i32>} : memref<512xi32, #tpu.memory_space<vmem>>, vector<16xi32>,
    %get3A_445 = vector.shape_cast %get3A_444 : vector<16xi32> to vector<16xi32>
    %mul3A_446 = arith.constant 4 : i32
    %mul3A_447 = vector.broadcast %mul3A_446 : i32 to vector<16xi32>
    %mul3A_448 = arith.muli %get3A_445, %mul3A_447 : vector<16xi32>
    %get3A_449 = arith.constant 240 : index
    %get3A_450 = tpu.vector_load %arg9[%get3A_449] {strides = array<i32>} : memref<512xi32, #tpu.memory_space<vmem>>, vector<16xi32>,
    %get3A_451 = vector.shape_cast %get3A_450 : vector<16xi32> to vector<16xi32>
    %add3A_452 = arith.addi %mul3A_448, %get3A_451 : vector<16xi32>
    %mul3A_453 = arith.constant 2 : i32
    %mul3A_454 = vector.broadcast %mul3A_453 : i32 to vector<16xi32>
    %mul3A_455 = arith.muli %add3A_452, %mul3A_454 : vector<16xi32>
    %get3A_456 = arith.constant 240 : index
    %get3A_457 = tpu.vector_load %arg10[%get3A_456] {strides = array<i32>} : memref<512xi32, #tpu.memory_space<vmem>>, vector<16xi32>,
    %get3A_458 = vector.shape_cast %get3A_457 : vector<16xi32> to vector<16xi32>
    %add3A_459 = arith.addi %mul3A_455, %get3A_458 : vector<16xi32>
    %mul3A_460 = arith.constant 3 : i32
    %mul3A_461 = vector.broadcast %mul3A_460 : i32 to vector<16xi32>
    %mul3A_462 = arith.muli %add3A_459, %mul3A_461 : vector<16xi32>
    %get3A_463 = arith.constant 240 : index
    %get3A_464 = tpu.vector_load %arg11[%get3A_463] {strides = array<i32>} : memref<512xi32, #tpu.memory_space<vmem>>, vector<16xi32>,
    %get3A_465 = vector.shape_cast %get3A_464 : vector<16xi32> to vector<16xi32>
    %add3A_466 = arith.addi %mul3A_462, %get3A_465 : vector<16xi32>
    %swap3A_467 = arith.constant 240 : index
    %swap3A_468 = tpu.vector_load %arg12[%swap3A_467] {strides = array<i32>} : memref<512xi32, #tpu.memory_space<vmem>>, vector<16xi32>,
    %swap3A_469 = vector.shape_cast %swap3A_468 : vector<16xi32> to vector<16xi32>
    %swap3A_470 = vector.shape_cast %add3A_466 : vector<16xi32> to vector<16xi32>
    tpu.vector_store %arg12[%swap3A_467], %swap3A_470 {strides = array<i32>} : memref<512xi32, #tpu.memory_space<vmem>>, vector<16xi32>,
    %dma_start3A_471 = arith.constant 128 : i32
    %dma_start3A_472 = arith.constant 0 : i32
    %dma_start3A_473 = tpu.memref_slice %arg13[%dma_start3A_471, %dma_start3A_472] : memref<512x128xf32, #tpu.memory_space<vmem>> -> memref<128x128xf32, #tpu.memory_space<vmem>>
    %dma_start3A_474 = arith.constant 128 : i32
    %dma_start3A_475 = tpu.memref_slice %arg12[%dma_start3A_474] : memref<512xi32, #tpu.memory_space<vmem>> -> memref<128xi32, #tpu.memory_space<vmem>>
    %dma_start3A_476 = arith.constant 0 : i32
    %dma_start3A_477 = arith.constant 0 : i32
    %dma_start3A_478 = tpu.memref_slice %arg2[%dma_start3A_476, %dma_start3A_477] : memref<96x128xf32, #tpu.memory_space<hbm>> -> memref<96x128xf32, #tpu.memory_space<hbm>>
    tpu.enqueue_indirect_dma source(%dma_start3A_478 : memref<96x128xf32, #tpu.memory_space<hbm>>) target(%dma_start3A_473 : memref<128x128xf32, #tpu.memory_space<vmem>>) offsets(%dma_start3A_475 : memref<128xi32, #tpu.memory_space<vmem>>) semaphore(%arg14 : memref<!tpu.dma_semaphore, #tpu.memory_space<semaphore_mem>>)
    %get3A_479 = arith.constant 256 : index
    %get3A_480 = tpu.vector_load %arg8[%get3A_479] {strides = array<i32>} : memref<512xi32, #tpu.memory_space<vmem>>, vector<16xi32>,
    %get3A_481 = vector.shape_cast %get3A_480 : vector<16xi32> to vector<16xi32>
    %mul3A_482 = arith.constant 4 : i32
    %mul3A_483 = vector.broadcast %mul3A_482 : i32 to vector<16xi32>
    %mul3A_484 = arith.muli %get3A_481, %mul3A_483 : vector<16xi32>
    %get3A_485 = arith.constant 256 : index
    %get3A_486 = tpu.vector_load %arg9[%get3A_485] {strides = array<i32>} : memref<512xi32, #tpu.memory_space<vmem>>, vector<16xi32>,
    %get3A_487 = vector.shape_cast %get3A_486 : vector<16xi32> to vector<16xi32>
    %add3A_488 = arith.addi %mul3A_484, %get3A_487 : vector<16xi32>
    %mul3A_489 = arith.constant 2 : i32
    %mul3A_490 = vector.broadcast %mul3A_489 : i32 to vector<16xi32>
    %mul3A_491 = arith.muli %add3A_488, %mul3A_490 : vector<16xi32>
    %get3A_492 = arith.constant 256 : index
    %get3A_493 = tpu.vector_load %arg10[%get3A_492] {strides = array<i32>} : memref<512xi32, #tpu.memory_space<vmem>>, vector<16xi32>,
    %get3A_494 = vector.shape_cast %get3A_493 : vector<16xi32> to vector<16xi32>
    %add3A_495 = arith.addi %mul3A_491, %get3A_494 : vector<16xi32>
    %mul3A_496 = arith.constant 3 : i32
    %mul3A_497 = vector.broadcast %mul3A_496 : i32 to vector<16xi32>
    %mul3A_498 = arith.muli %add3A_495, %mul3A_497 : vector<16xi32>
    %get3A_499 = arith.constant 256 : index
    %get3A_500 = tpu.vector_load %arg11[%get3A_499] {strides = array<i32>} : memref<512xi32, #tpu.memory_space<vmem>>, vector<16xi32>,
    %get3A_501 = vector.shape_cast %get3A_500 : vector<16xi32> to vector<16xi32>
    %add3A_502 = arith.addi %mul3A_498, %get3A_501 : vector<16xi32>
    %swap3A_503 = arith.constant 256 : index
    %swap3A_504 = tpu.vector_load %arg12[%swap3A_503] {strides = array<i32>} : memref<512xi32, #tpu.memory_space<vmem>>, vector<16xi32>,
    %swap3A_505 = vector.shape_cast %swap3A_504 : vector<16xi32> to vector<16xi32>
    %swap3A_506 = vector.shape_cast %add3A_502 : vector<16xi32> to vector<16xi32>
    tpu.vector_store %arg12[%swap3A_503], %swap3A_506 {strides = array<i32>} : memref<512xi32, #tpu.memory_space<vmem>>, vector<16xi32>,
    %get3A_507 = arith.constant 272 : index
    %get3A_508 = tpu.vector_load %arg8[%get3A_507] {strides = array<i32>} : memref<512xi32, #tpu.memory_space<vmem>>, vector<16xi32>,
    %get3A_509 = vector.shape_cast %get3A_508 : vector<16xi32> to vector<16xi32>
    %mul3A_510 = arith.constant 4 : i32
    %mul3A_511 = vector.broadcast %mul3A_510 : i32 to vector<16xi32>
    %mul3A_512 = arith.muli %get3A_509, %mul3A_511 : vector<16xi32>
    %get3A_513 = arith.constant 272 : index
    %get3A_514 = tpu.vector_load %arg9[%get3A_513] {strides = array<i32>} : memref<512xi32, #tpu.memory_space<vmem>>, vector<16xi32>,
    %get3A_515 = vector.shape_cast %get3A_514 : vector<16xi32> to vector<16xi32>
    %add3A_516 = arith.addi %mul3A_512, %get3A_515 : vector<16xi32>
    %mul3A_517 = arith.constant 2 : i32
    %mul3A_518 = vector.broadcast %mul3A_517 : i32 to vector<16xi32>
    %mul3A_519 = arith.muli %add3A_516, %mul3A_518 : vector<16xi32>
    %get3A_520 = arith.constant 272 : index
    %get3A_521 = tpu.vector_load %arg10[%get3A_520] {strides = array<i32>} : memref<512xi32, #tpu.memory_space<vmem>>, vector<16xi32>,
    %get3A_522 = vector.shape_cast %get3A_521 : vector<16xi32> to vector<16xi32>
    %add3A_523 = arith.addi %mul3A_519, %get3A_522 : vector<16xi32>
    %mul3A_524 = arith.constant 3 : i32
    %mul3A_525 = vector.broadcast %mul3A_524 : i32 to vector<16xi32>
    %mul3A_526 = arith.muli %add3A_523, %mul3A_525 : vector<16xi32>
    %get3A_527 = arith.constant 272 : index
    %get3A_528 = tpu.vector_load %arg11[%get3A_527] {strides = array<i32>} : memref<512xi32, #tpu.memory_space<vmem>>, vector<16xi32>,
    %get3A_529 = vector.shape_cast %get3A_528 : vector<16xi32> to vector<16xi32>
    %add3A_530 = arith.addi %mul3A_526, %get3A_529 : vector<16xi32>
    %swap3A_531 = arith.constant 272 : index
    %swap3A_532 = tpu.vector_load %arg12[%swap3A_531] {strides = array<i32>} : memref<512xi32, #tpu.memory_space<vmem>>, vector<16xi32>,
    %swap3A_533 = vector.shape_cast %swap3A_532 : vector<16xi32> to vector<16xi32>
    %swap3A_534 = vector.shape_cast %add3A_530 : vector<16xi32> to vector<16xi32>
    tpu.vector_store %arg12[%swap3A_531], %swap3A_534 {strides = array<i32>} : memref<512xi32, #tpu.memory_space<vmem>>, vector<16xi32>,
    %get3A_535 = arith.constant 288 : index
    %get3A_536 = tpu.vector_load %arg8[%get3A_535] {strides = array<i32>} : memref<512xi32, #tpu.memory_space<vmem>>, vector<16xi32>,
    %get3A_537 = vector.shape_cast %get3A_536 : vector<16xi32> to vector<16xi32>
    %mul3A_538 = arith.constant 4 : i32
    %mul3A_539 = vector.broadcast %mul3A_538 : i32 to vector<16xi32>
    %mul3A_540 = arith.muli %get3A_537, %mul3A_539 : vector<16xi32>
    %get3A_541 = arith.constant 288 : index
    %get3A_542 = tpu.vector_load %arg9[%get3A_541] {strides = array<i32>} : memref<512xi32, #tpu.memory_space<vmem>>, vector<16xi32>,
    %get3A_543 = vector.shape_cast %get3A_542 : vector<16xi32> to vector<16xi32>
    %add3A_544 = arith.addi %mul3A_540, %get3A_543 : vector<16xi32>
    %mul3A_545 = arith.constant 2 : i32
    %mul3A_546 = vector.broadcast %mul3A_545 : i32 to vector<16xi32>
    %mul3A_547 = arith.muli %add3A_544, %mul3A_546 : vector<16xi32>
    %get3A_548 = arith.constant 288 : index
    %get3A_549 = tpu.vector_load %arg10[%get3A_548] {strides = array<i32>} : memref<512xi32, #tpu.memory_space<vmem>>, vector<16xi32>,
    %get3A_550 = vector.shape_cast %get3A_549 : vector<16xi32> to vector<16xi32>
    %add3A_551 = arith.addi %mul3A_547, %get3A_550 : vector<16xi32>
    %mul3A_552 = arith.constant 3 : i32
    %mul3A_553 = vector.broadcast %mul3A_552 : i32 to vector<16xi32>
    %mul3A_554 = arith.muli %add3A_551, %mul3A_553 : vector<16xi32>
    %get3A_555 = arith.constant 288 : index
    %get3A_556 = tpu.vector_load %arg11[%get3A_555] {strides = array<i32>} : memref<512xi32, #tpu.memory_space<vmem>>, vector<16xi32>,
    %get3A_557 = vector.shape_cast %get3A_556 : vector<16xi32> to vector<16xi32>
    %add3A_558 = arith.addi %mul3A_554, %get3A_557 : vector<16xi32>
    %swap3A_559 = arith.constant 288 : index
    %swap3A_560 = tpu.vector_load %arg12[%swap3A_559] {strides = array<i32>} : memref<512xi32, #tpu.memory_space<vmem>>, vector<16xi32>,
    %swap3A_561 = vector.shape_cast %swap3A_560 : vector<16xi32> to vector<16xi32>
    %swap3A_562 = vector.shape_cast %add3A_558 : vector<16xi32> to vector<16xi32>
    tpu.vector_store %arg12[%swap3A_559], %swap3A_562 {strides = array<i32>} : memref<512xi32, #tpu.memory_space<vmem>>, vector<16xi32>,
    %get3A_563 = arith.constant 304 : index
    %get3A_564 = tpu.vector_load %arg8[%get3A_563] {strides = array<i32>} : memref<512xi32, #tpu.memory_space<vmem>>, vector<16xi32>,
    %get3A_565 = vector.shape_cast %get3A_564 : vector<16xi32> to vector<16xi32>
    %mul3A_566 = arith.constant 4 : i32
    %mul3A_567 = vector.broadcast %mul3A_566 : i32 to vector<16xi32>
    %mul3A_568 = arith.muli %get3A_565, %mul3A_567 : vector<16xi32>
    %get3A_569 = arith.constant 304 : index
    %get3A_570 = tpu.vector_load %arg9[%get3A_569] {strides = array<i32>} : memref<512xi32, #tpu.memory_space<vmem>>, vector<16xi32>,
    %get3A_571 = vector.shape_cast %get3A_570 : vector<16xi32> to vector<16xi32>
    %add3A_572 = arith.addi %mul3A_568, %get3A_571 : vector<16xi32>
    %mul3A_573 = arith.constant 2 : i32
    %mul3A_574 = vector.broadcast %mul3A_573 : i32 to vector<16xi32>
    %mul3A_575 = arith.muli %add3A_572, %mul3A_574 : vector<16xi32>
    %get3A_576 = arith.constant 304 : index
    %get3A_577 = tpu.vector_load %arg10[%get3A_576] {strides = array<i32>} : memref<512xi32, #tpu.memory_space<vmem>>, vector<16xi32>,
    %get3A_578 = vector.shape_cast %get3A_577 : vector<16xi32> to vector<16xi32>
    %add3A_579 = arith.addi %mul3A_575, %get3A_578 : vector<16xi32>
    %mul3A_580 = arith.constant 3 : i32
    %mul3A_581 = vector.broadcast %mul3A_580 : i32 to vector<16xi32>
    %mul3A_582 = arith.muli %add3A_579, %mul3A_581 : vector<16xi32>
    %get3A_583 = arith.constant 304 : index
    %get3A_584 = tpu.vector_load %arg11[%get3A_583] {strides = array<i32>} : memref<512xi32, #tpu.memory_space<vmem>>, vector<16xi32>,
    %get3A_585 = vector.shape_cast %get3A_584 : vector<16xi32> to vector<16xi32>
    %add3A_586 = arith.addi %mul3A_582, %get3A_585 : vector<16xi32>
    %swap3A_587 = arith.constant 304 : index
    %swap3A_588 = tpu.vector_load %arg12[%swap3A_587] {strides = array<i32>} : memref<512xi32, #tpu.memory_space<vmem>>, vector<16xi32>,
    %swap3A_589 = vector.shape_cast %swap3A_588 : vector<16xi32> to vector<16xi32>
    %swap3A_590 = vector.shape_cast %add3A_586 : vector<16xi32> to vector<16xi32>
    tpu.vector_store %arg12[%swap3A_587], %swap3A_590 {strides = array<i32>} : memref<512xi32, #tpu.memory_space<vmem>>, vector<16xi32>,
    %get3A_591 = arith.constant 320 : index
    %get3A_592 = tpu.vector_load %arg8[%get3A_591] {strides = array<i32>} : memref<512xi32, #tpu.memory_space<vmem>>, vector<16xi32>,
    %get3A_593 = vector.shape_cast %get3A_592 : vector<16xi32> to vector<16xi32>
    %mul3A_594 = arith.constant 4 : i32
    %mul3A_595 = vector.broadcast %mul3A_594 : i32 to vector<16xi32>
    %mul3A_596 = arith.muli %get3A_593, %mul3A_595 : vector<16xi32>
    %get3A_597 = arith.constant 320 : index
    %get3A_598 = tpu.vector_load %arg9[%get3A_597] {strides = array<i32>} : memref<512xi32, #tpu.memory_space<vmem>>, vector<16xi32>,
    %get3A_599 = vector.shape_cast %get3A_598 : vector<16xi32> to vector<16xi32>
    %add3A_600 = arith.addi %mul3A_596, %get3A_599 : vector<16xi32>
    %mul3A_601 = arith.constant 2 : i32
    %mul3A_602 = vector.broadcast %mul3A_601 : i32 to vector<16xi32>
    %mul3A_603 = arith.muli %add3A_600, %mul3A_602 : vector<16xi32>
    %get3A_604 = arith.constant 320 : index
    %get3A_605 = tpu.vector_load %arg10[%get3A_604] {strides = array<i32>} : memref<512xi32, #tpu.memory_space<vmem>>, vector<16xi32>,
    %get3A_606 = vector.shape_cast %get3A_605 : vector<16xi32> to vector<16xi32>
    %add3A_607 = arith.addi %mul3A_603, %get3A_606 : vector<16xi32>
    %mul3A_608 = arith.constant 3 : i32
    %mul3A_609 = vector.broadcast %mul3A_608 : i32 to vector<16xi32>
    %mul3A_610 = arith.muli %add3A_607, %mul3A_609 : vector<16xi32>
    %get3A_611 = arith.constant 320 : index
    %get3A_612 = tpu.vector_load %arg11[%get3A_611] {strides = array<i32>} : memref<512xi32, #tpu.memory_space<vmem>>, vector<16xi32>,
    %get3A_613 = vector.shape_cast %get3A_612 : vector<16xi32> to vector<16xi32>
    %add3A_614 = arith.addi %mul3A_610, %get3A_613 : vector<16xi32>
    %swap3A_615 = arith.constant 320 : index
    %swap3A_616 = tpu.vector_load %arg12[%swap3A_615] {strides = array<i32>} : memref<512xi32, #tpu.memory_space<vmem>>, vector<16xi32>,
    %swap3A_617 = vector.shape_cast %swap3A_616 : vector<16xi32> to vector<16xi32>
    %swap3A_618 = vector.shape_cast %add3A_614 : vector<16xi32> to vector<16xi32>
    tpu.vector_store %arg12[%swap3A_615], %swap3A_618 {strides = array<i32>} : memref<512xi32, #tpu.memory_space<vmem>>, vector<16xi32>,
    %get3A_619 = arith.constant 336 : index
    %get3A_620 = tpu.vector_load %arg8[%get3A_619] {strides = array<i32>} : memref<512xi32, #tpu.memory_space<vmem>>, vector<16xi32>,
    %get3A_621 = vector.shape_cast %get3A_620 : vector<16xi32> to vector<16xi32>
    %mul3A_622 = arith.constant 4 : i32
    %mul3A_623 = vector.broadcast %mul3A_622 : i32 to vector<16xi32>
    %mul3A_624 = arith.muli %get3A_621, %mul3A_623 : vector<16xi32>
    %get3A_625 = arith.constant 336 : index
    %get3A_626 = tpu.vector_load %arg9[%get3A_625] {strides = array<i32>} : memref<512xi32, #tpu.memory_space<vmem>>, vector<16xi32>,
    %get3A_627 = vector.shape_cast %get3A_626 : vector<16xi32> to vector<16xi32>
    %add3A_628 = arith.addi %mul3A_624, %get3A_627 : vector<16xi32>
    %mul3A_629 = arith.constant 2 : i32
    %mul3A_630 = vector.broadcast %mul3A_629 : i32 to vector<16xi32>
    %mul3A_631 = arith.muli %add3A_628, %mul3A_630 : vector<16xi32>
    %get3A_632 = arith.constant 336 : index
    %get3A_633 = tpu.vector_load %arg10[%get3A_632] {strides = array<i32>} : memref<512xi32, #tpu.memory_space<vmem>>, vector<16xi32>,
    %get3A_634 = vector.shape_cast %get3A_633 : vector<16xi32> to vector<16xi32>
    %add3A_635 = arith.addi %mul3A_631, %get3A_634 : vector<16xi32>
    %mul3A_636 = arith.constant 3 : i32
    %mul3A_637 = vector.broadcast %mul3A_636 : i32 to vector<16xi32>
    %mul3A_638 = arith.muli %add3A_635, %mul3A_637 : vector<16xi32>
    %get3A_639 = arith.constant 336 : index
    %get3A_640 = tpu.vector_load %arg11[%get3A_639] {strides = array<i32>} : memref<512xi32, #tpu.memory_space<vmem>>, vector<16xi32>,
    %get3A_641 = vector.shape_cast %get3A_640 : vector<16xi32> to vector<16xi32>
    %add3A_642 = arith.addi %mul3A_638, %get3A_641 : vector<16xi32>
    %swap3A_643 = arith.constant 336 : index
    %swap3A_644 = tpu.vector_load %arg12[%swap3A_643] {strides = array<i32>} : memref<512xi32, #tpu.memory_space<vmem>>, vector<16xi32>,
    %swap3A_645 = vector.shape_cast %swap3A_644 : vector<16xi32> to vector<16xi32>
    %swap3A_646 = vector.shape_cast %add3A_642 : vector<16xi32> to vector<16xi32>
    tpu.vector_store %arg12[%swap3A_643], %swap3A_646 {strides = array<i32>} : memref<512xi32, #tpu.memory_space<vmem>>, vector<16xi32>,
    %get3A_647 = arith.constant 352 : index
    %get3A_648 = tpu.vector_load %arg8[%get3A_647] {strides = array<i32>} : memref<512xi32, #tpu.memory_space<vmem>>, vector<16xi32>,
    %get3A_649 = vector.shape_cast %get3A_648 : vector<16xi32> to vector<16xi32>
    %mul3A_650 = arith.constant 4 : i32
    %mul3A_651 = vector.broadcast %mul3A_650 : i32 to vector<16xi32>
    %mul3A_652 = arith.muli %get3A_649, %mul3A_651 : vector<16xi32>
    %get3A_653 = arith.constant 352 : index
    %get3A_654 = tpu.vector_load %arg9[%get3A_653] {strides = array<i32>} : memref<512xi32, #tpu.memory_space<vmem>>, vector<16xi32>,
    %get3A_655 = vector.shape_cast %get3A_654 : vector<16xi32> to vector<16xi32>
    %add3A_656 = arith.addi %mul3A_652, %get3A_655 : vector<16xi32>
    %mul3A_657 = arith.constant 2 : i32
    %mul3A_658 = vector.broadcast %mul3A_657 : i32 to vector<16xi32>
    %mul3A_659 = arith.muli %add3A_656, %mul3A_658 : vector<16xi32>
    %get3A_660 = arith.constant 352 : index
    %get3A_661 = tpu.vector_load %arg10[%get3A_660] {strides = array<i32>} : memref<512xi32, #tpu.memory_space<vmem>>, vector<16xi32>,
    %get3A_662 = vector.shape_cast %get3A_661 : vector<16xi32> to vector<16xi32>
    %add3A_663 = arith.addi %mul3A_659, %get3A_662 : vector<16xi32>
    %mul3A_664 = arith.constant 3 : i32
    %mul3A_665 = vector.broadcast %mul3A_664 : i32 to vector<16xi32>
    %mul3A_666 = arith.muli %add3A_663, %mul3A_665 : vector<16xi32>
    %get3A_667 = arith.constant 352 : index
    %get3A_668 = tpu.vector_load %arg11[%get3A_667] {strides = array<i32>} : memref<512xi32, #tpu.memory_space<vmem>>, vector<16xi32>,
    %get3A_669 = vector.shape_cast %get3A_668 : vector<16xi32> to vector<16xi32>
    %add3A_670 = arith.addi %mul3A_666, %get3A_669 : vector<16xi32>
    %swap3A_671 = arith.constant 352 : index
    %swap3A_672 = tpu.vector_load %arg12[%swap3A_671] {strides = array<i32>} : memref<512xi32, #tpu.memory_space<vmem>>, vector<16xi32>,
    %swap3A_673 = vector.shape_cast %swap3A_672 : vector<16xi32> to vector<16xi32>
    %swap3A_674 = vector.shape_cast %add3A_670 : vector<16xi32> to vector<16xi32>
    tpu.vector_store %arg12[%swap3A_671], %swap3A_674 {strides = array<i32>} : memref<512xi32, #tpu.memory_space<vmem>>, vector<16xi32>,
    %get3A_675 = arith.constant 368 : index
    %get3A_676 = tpu.vector_load %arg8[%get3A_675] {strides = array<i32>} : memref<512xi32, #tpu.memory_space<vmem>>, vector<16xi32>,
    %get3A_677 = vector.shape_cast %get3A_676 : vector<16xi32> to vector<16xi32>
    %mul3A_678 = arith.constant 4 : i32
    %mul3A_679 = vector.broadcast %mul3A_678 : i32 to vector<16xi32>
    %mul3A_680 = arith.muli %get3A_677, %mul3A_679 : vector<16xi32>
    %get3A_681 = arith.constant 368 : index
    %get3A_682 = tpu.vector_load %arg9[%get3A_681] {strides = array<i32>} : memref<512xi32, #tpu.memory_space<vmem>>, vector<16xi32>,
    %get3A_683 = vector.shape_cast %get3A_682 : vector<16xi32> to vector<16xi32>
    %add3A_684 = arith.addi %mul3A_680, %get3A_683 : vector<16xi32>
    %mul3A_685 = arith.constant 2 : i32
    %mul3A_686 = vector.broadcast %mul3A_685 : i32 to vector<16xi32>
    %mul3A_687 = arith.muli %add3A_684, %mul3A_686 : vector<16xi32>
    %get3A_688 = arith.constant 368 : index
    %get3A_689 = tpu.vector_load %arg10[%get3A_688] {strides = array<i32>} : memref<512xi32, #tpu.memory_space<vmem>>, vector<16xi32>,
    %get3A_690 = vector.shape_cast %get3A_689 : vector<16xi32> to vector<16xi32>
    %add3A_691 = arith.addi %mul3A_687, %get3A_690 : vector<16xi32>
    %mul3A_692 = arith.constant 3 : i32
    %mul3A_693 = vector.broadcast %mul3A_692 : i32 to vector<16xi32>
    %mul3A_694 = arith.muli %add3A_691, %mul3A_693 : vector<16xi32>
    %get3A_695 = arith.constant 368 : index
    %get3A_696 = tpu.vector_load %arg11[%get3A_695] {strides = array<i32>} : memref<512xi32, #tpu.memory_space<vmem>>, vector<16xi32>,
    %get3A_697 = vector.shape_cast %get3A_696 : vector<16xi32> to vector<16xi32>
    %add3A_698 = arith.addi %mul3A_694, %get3A_697 : vector<16xi32>
    %swap3A_699 = arith.constant 368 : index
    %swap3A_700 = tpu.vector_load %arg12[%swap3A_699] {strides = array<i32>} : memref<512xi32, #tpu.memory_space<vmem>>, vector<16xi32>,
    %swap3A_701 = vector.shape_cast %swap3A_700 : vector<16xi32> to vector<16xi32>
    %swap3A_702 = vector.shape_cast %add3A_698 : vector<16xi32> to vector<16xi32>
    tpu.vector_store %arg12[%swap3A_699], %swap3A_702 {strides = array<i32>} : memref<512xi32, #tpu.memory_space<vmem>>, vector<16xi32>,
    %dma_start3A_703 = arith.constant 256 : i32
    %dma_start3A_704 = arith.constant 0 : i32
    %dma_start3A_705 = tpu.memref_slice %arg13[%dma_start3A_703, %dma_start3A_704] : memref<512x128xf32, #tpu.memory_space<vmem>> -> memref<128x128xf32, #tpu.memory_space<vmem>>
    %dma_start3A_706 = arith.constant 256 : i32
    %dma_start3A_707 = tpu.memref_slice %arg12[%dma_start3A_706] : memref<512xi32, #tpu.memory_space<vmem>> -> memref<128xi32, #tpu.memory_space<vmem>>
    %dma_start3A_708 = arith.constant 0 : i32
    %dma_start3A_709 = arith.constant 0 : i32
    %dma_start3A_710 = tpu.memref_slice %arg2[%dma_start3A_708, %dma_start3A_709] : memref<96x128xf32, #tpu.memory_space<hbm>> -> memref<96x128xf32, #tpu.memory_space<hbm>>
    tpu.enqueue_indirect_dma source(%dma_start3A_710 : memref<96x128xf32, #tpu.memory_space<hbm>>) target(%dma_start3A_705 : memref<128x128xf32, #tpu.memory_space<vmem>>) offsets(%dma_start3A_707 : memref<128xi32, #tpu.memory_space<vmem>>) semaphore(%arg14 : memref<!tpu.dma_semaphore, #tpu.memory_space<semaphore_mem>>)
    %get3A_711 = arith.constant 384 : index
    %get3A_712 = tpu.vector_load %arg8[%get3A_711] {strides = array<i32>} : memref<512xi32, #tpu.memory_space<vmem>>, vector<16xi32>,
    %get3A_713 = vector.shape_cast %get3A_712 : vector<16xi32> to vector<16xi32>
    %mul3A_714 = arith.constant 4 : i32
    %mul3A_715 = vector.broadcast %mul3A_714 : i32 to vector<16xi32>
    %mul3A_716 = arith.muli %get3A_713, %mul3A_715 : vector<16xi32>
    %get3A_717 = arith.constant 384 : index
    %get3A_718 = tpu.vector_load %arg9[%get3A_717] {strides = array<i32>} : memref<512xi32, #tpu.memory_space<vmem>>, vector<16xi32>,
    %get3A_719 = vector.shape_cast %get3A_718 : vector<16xi32> to vector<16xi32>
    %add3A_720 = arith.addi %mul3A_716, %get3A_719 : vector<16xi32>
    %mul3A_721 = arith.constant 2 : i32
    %mul3A_722 = vector.broadcast %mul3A_721 : i32 to vector<16xi32>
    %mul3A_723 = arith.muli %add3A_720, %mul3A_722 : vector<16xi32>
    %get3A_724 = arith.constant 384 : index
    %get3A_725 = tpu.vector_load %arg10[%get3A_724] {strides = array<i32>} : memref<512xi32, #tpu.memory_space<vmem>>, vector<16xi32>,
    %get3A_726 = vector.shape_cast %get3A_725 : vector<16xi32> to vector<16xi32>
    %add3A_727 = arith.addi %mul3A_723, %get3A_726 : vector<16xi32>
    %mul3A_728 = arith.constant 3 : i32
    %mul3A_729 = vector.broadcast %mul3A_728 : i32 to vector<16xi32>
    %mul3A_730 = arith.muli %add3A_727, %mul3A_729 : vector<16xi32>
    %get3A_731 = arith.constant 384 : index
    %get3A_732 = tpu.vector_load %arg11[%get3A_731] {strides = array<i32>} : memref<512xi32, #tpu.memory_space<vmem>>, vector<16xi32>,
    %get3A_733 = vector.shape_cast %get3A_732 : vector<16xi32> to vector<16xi32>
    %add3A_734 = arith.addi %mul3A_730, %get3A_733 : vector<16xi32>
    %swap3A_735 = arith.constant 384 : index
    %swap3A_736 = tpu.vector_load %arg12[%swap3A_735] {strides = array<i32>} : memref<512xi32, #tpu.memory_space<vmem>>, vector<16xi32>,
    %swap3A_737 = vector.shape_cast %swap3A_736 : vector<16xi32> to vector<16xi32>
    %swap3A_738 = vector.shape_cast %add3A_734 : vector<16xi32> to vector<16xi32>
    tpu.vector_store %arg12[%swap3A_735], %swap3A_738 {strides = array<i32>} : memref<512xi32, #tpu.memory_space<vmem>>, vector<16xi32>,
    %get3A_739 = arith.constant 400 : index
    %get3A_740 = tpu.vector_load %arg8[%get3A_739] {strides = array<i32>} : memref<512xi32, #tpu.memory_space<vmem>>, vector<16xi32>,
    %get3A_741 = vector.shape_cast %get3A_740 : vector<16xi32> to vector<16xi32>
    %mul3A_742 = arith.constant 4 : i32
    %mul3A_743 = vector.broadcast %mul3A_742 : i32 to vector<16xi32>
    %mul3A_744 = arith.muli %get3A_741, %mul3A_743 : vector<16xi32>
    %get3A_745 = arith.constant 400 : index
    %get3A_746 = tpu.vector_load %arg9[%get3A_745] {strides = array<i32>} : memref<512xi32, #tpu.memory_space<vmem>>, vector<16xi32>,
    %get3A_747 = vector.shape_cast %get3A_746 : vector<16xi32> to vector<16xi32>
    %add3A_748 = arith.addi %mul3A_744, %get3A_747 : vector<16xi32>
    %mul3A_749 = arith.constant 2 : i32
    %mul3A_750 = vector.broadcast %mul3A_749 : i32 to vector<16xi32>
    %mul3A_751 = arith.muli %add3A_748, %mul3A_750 : vector<16xi32>
    %get3A_752 = arith.constant 400 : index
    %get3A_753 = tpu.vector_load %arg10[%get3A_752] {strides = array<i32>} : memref<512xi32, #tpu.memory_space<vmem>>, vector<16xi32>,
    %get3A_754 = vector.shape_cast %get3A_753 : vector<16xi32> to vector<16xi32>
    %add3A_755 = arith.addi %mul3A_751, %get3A_754 : vector<16xi32>
    %mul3A_756 = arith.constant 3 : i32
    %mul3A_757 = vector.broadcast %mul3A_756 : i32 to vector<16xi32>
    %mul3A_758 = arith.muli %add3A_755, %mul3A_757 : vector<16xi32>
    %get3A_759 = arith.constant 400 : index
    %get3A_760 = tpu.vector_load %arg11[%get3A_759] {strides = array<i32>} : memref<512xi32, #tpu.memory_space<vmem>>, vector<16xi32>,
    %get3A_761 = vector.shape_cast %get3A_760 : vector<16xi32> to vector<16xi32>
    %add3A_762 = arith.addi %mul3A_758, %get3A_761 : vector<16xi32>
    %swap3A_763 = arith.constant 400 : index
    %swap3A_764 = tpu.vector_load %arg12[%swap3A_763] {strides = array<i32>} : memref<512xi32, #tpu.memory_space<vmem>>, vector<16xi32>,
    %swap3A_765 = vector.shape_cast %swap3A_764 : vector<16xi32> to vector<16xi32>
    %swap3A_766 = vector.shape_cast %add3A_762 : vector<16xi32> to vector<16xi32>
    tpu.vector_store %arg12[%swap3A_763], %swap3A_766 {strides = array<i32>} : memref<512xi32, #tpu.memory_space<vmem>>, vector<16xi32>,
    %get3A_767 = arith.constant 416 : index
    %get3A_768 = tpu.vector_load %arg8[%get3A_767] {strides = array<i32>} : memref<512xi32, #tpu.memory_space<vmem>>, vector<16xi32>,
    %get3A_769 = vector.shape_cast %get3A_768 : vector<16xi32> to vector<16xi32>
    %mul3A_770 = arith.constant 4 : i32
    %mul3A_771 = vector.broadcast %mul3A_770 : i32 to vector<16xi32>
    %mul3A_772 = arith.muli %get3A_769, %mul3A_771 : vector<16xi32>
    %get3A_773 = arith.constant 416 : index
    %get3A_774 = tpu.vector_load %arg9[%get3A_773] {strides = array<i32>} : memref<512xi32, #tpu.memory_space<vmem>>, vector<16xi32>,
    %get3A_775 = vector.shape_cast %get3A_774 : vector<16xi32> to vector<16xi32>
    %add3A_776 = arith.addi %mul3A_772, %get3A_775 : vector<16xi32>
    %mul3A_777 = arith.constant 2 : i32
    %mul3A_778 = vector.broadcast %mul3A_777 : i32 to vector<16xi32>
    %mul3A_779 = arith.muli %add3A_776, %mul3A_778 : vector<16xi32>
    %get3A_780 = arith.constant 416 : index
    %get3A_781 = tpu.vector_load %arg10[%get3A_780] {strides = array<i32>} : memref<512xi32, #tpu.memory_space<vmem>>, vector<16xi32>,
    %get3A_782 = vector.shape_cast %get3A_781 : vector<16xi32> to vector<16xi32>
    %add3A_783 = arith.addi %mul3A_779, %get3A_782 : vector<16xi32>
    %mul3A_784 = arith.constant 3 : i32
    %mul3A_785 = vector.broadcast %mul3A_784 : i32 to vector<16xi32>
    %mul3A_786 = arith.muli %add3A_783, %mul3A_785 : vector<16xi32>
    %get3A_787 = arith.constant 416 : index
    %get3A_788 = tpu.vector_load %arg11[%get3A_787] {strides = array<i32>} : memref<512xi32, #tpu.memory_space<vmem>>, vector<16xi32>,
    %get3A_789 = vector.shape_cast %get3A_788 : vector<16xi32> to vector<16xi32>
    %add3A_790 = arith.addi %mul3A_786, %get3A_789 : vector<16xi32>
    %swap3A_791 = arith.constant 416 : index
    %swap3A_792 = tpu.vector_load %arg12[%swap3A_791] {strides = array<i32>} : memref<512xi32, #tpu.memory_space<vmem>>, vector<16xi32>,
    %swap3A_793 = vector.shape_cast %swap3A_792 : vector<16xi32> to vector<16xi32>
    %swap3A_794 = vector.shape_cast %add3A_790 : vector<16xi32> to vector<16xi32>
    tpu.vector_store %arg12[%swap3A_791], %swap3A_794 {strides = array<i32>} : memref<512xi32, #tpu.memory_space<vmem>>, vector<16xi32>,
    %get3A_795 = arith.constant 432 : index
    %get3A_796 = tpu.vector_load %arg8[%get3A_795] {strides = array<i32>} : memref<512xi32, #tpu.memory_space<vmem>>, vector<16xi32>,
    %get3A_797 = vector.shape_cast %get3A_796 : vector<16xi32> to vector<16xi32>
    %mul3A_798 = arith.constant 4 : i32
    %mul3A_799 = vector.broadcast %mul3A_798 : i32 to vector<16xi32>
    %mul3A_800 = arith.muli %get3A_797, %mul3A_799 : vector<16xi32>
    %get3A_801 = arith.constant 432 : index
    %get3A_802 = tpu.vector_load %arg9[%get3A_801] {strides = array<i32>} : memref<512xi32, #tpu.memory_space<vmem>>, vector<16xi32>,
    %get3A_803 = vector.shape_cast %get3A_802 : vector<16xi32> to vector<16xi32>
    %add3A_804 = arith.addi %mul3A_800, %get3A_803 : vector<16xi32>
    %mul3A_805 = arith.constant 2 : i32
    %mul3A_806 = vector.broadcast %mul3A_805 : i32 to vector<16xi32>
    %mul3A_807 = arith.muli %add3A_804, %mul3A_806 : vector<16xi32>
    %get3A_808 = arith.constant 432 : index
    %get3A_809 = tpu.vector_load %arg10[%get3A_808] {strides = array<i32>} : memref<512xi32, #tpu.memory_space<vmem>>, vector<16xi32>,
    %get3A_810 = vector.shape_cast %get3A_809 : vector<16xi32> to vector<16xi32>
    %add3A_811 = arith.addi %mul3A_807, %get3A_810 : vector<16xi32>
    %mul3A_812 = arith.constant 3 : i32
    %mul3A_813 = vector.broadcast %mul3A_812 : i32 to vector<16xi32>
    %mul3A_814 = arith.muli %add3A_811, %mul3A_813 : vector<16xi32>
    %get3A_815 = arith.constant 432 : index
    %get3A_816 = tpu.vector_load %arg11[%get3A_815] {strides = array<i32>} : memref<512xi32, #tpu.memory_space<vmem>>, vector<16xi32>,
    %get3A_817 = vector.shape_cast %get3A_816 : vector<16xi32> to vector<16xi32>
    %add3A_818 = arith.addi %mul3A_814, %get3A_817 : vector<16xi32>
    %swap3A_819 = arith.constant 432 : index
    %swap3A_820 = tpu.vector_load %arg12[%swap3A_819] {strides = array<i32>} : memref<512xi32, #tpu.memory_space<vmem>>, vector<16xi32>,
    %swap3A_821 = vector.shape_cast %swap3A_820 : vector<16xi32> to vector<16xi32>
    %swap3A_822 = vector.shape_cast %add3A_818 : vector<16xi32> to vector<16xi32>
    tpu.vector_store %arg12[%swap3A_819], %swap3A_822 {strides = array<i32>} : memref<512xi32, #tpu.memory_space<vmem>>, vector<16xi32>,
    %get3A_823 = arith.constant 448 : index
    %get3A_824 = tpu.vector_load %arg8[%get3A_823] {strides = array<i32>} : memref<512xi32, #tpu.memory_space<vmem>>, vector<16xi32>,
    %get3A_825 = vector.shape_cast %get3A_824 : vector<16xi32> to vector<16xi32>
    %mul3A_826 = arith.constant 4 : i32
    %mul3A_827 = vector.broadcast %mul3A_826 : i32 to vector<16xi32>
    %mul3A_828 = arith.muli %get3A_825, %mul3A_827 : vector<16xi32>
    %get3A_829 = arith.constant 448 : index
    %get3A_830 = tpu.vector_load %arg9[%get3A_829] {strides = array<i32>} : memref<512xi32, #tpu.memory_space<vmem>>, vector<16xi32>,
    %get3A_831 = vector.shape_cast %get3A_830 : vector<16xi32> to vector<16xi32>
    %add3A_832 = arith.addi %mul3A_828, %get3A_831 : vector<16xi32>
    %mul3A_833 = arith.constant 2 : i32
    %mul3A_834 = vector.broadcast %mul3A_833 : i32 to vector<16xi32>
    %mul3A_835 = arith.muli %add3A_832, %mul3A_834 : vector<16xi32>
    %get3A_836 = arith.constant 448 : index
    %get3A_837 = tpu.vector_load %arg10[%get3A_836] {strides = array<i32>} : memref<512xi32, #tpu.memory_space<vmem>>, vector<16xi32>,
    %get3A_838 = vector.shape_cast %get3A_837 : vector<16xi32> to vector<16xi32>
    %add3A_839 = arith.addi %mul3A_835, %get3A_838 : vector<16xi32>
    %mul3A_840 = arith.constant 3 : i32
    %mul3A_841 = vector.broadcast %mul3A_840 : i32 to vector<16xi32>
    %mul3A_842 = arith.muli %add3A_839, %mul3A_841 : vector<16xi32>
    %get3A_843 = arith.constant 448 : index
    %get3A_844 = tpu.vector_load %arg11[%get3A_843] {strides = array<i32>} : memref<512xi32, #tpu.memory_space<vmem>>, vector<16xi32>,
    %get3A_845 = vector.shape_cast %get3A_844 : vector<16xi32> to vector<16xi32>
    %add3A_846 = arith.addi %mul3A_842, %get3A_845 : vector<16xi32>
    %swap3A_847 = arith.constant 448 : index
    %swap3A_848 = tpu.vector_load %arg12[%swap3A_847] {strides = array<i32>} : memref<512xi32, #tpu.memory_space<vmem>>, vector<16xi32>,
    %swap3A_849 = vector.shape_cast %swap3A_848 : vector<16xi32> to vector<16xi32>
    %swap3A_850 = vector.shape_cast %add3A_846 : vector<16xi32> to vector<16xi32>
    tpu.vector_store %arg12[%swap3A_847], %swap3A_850 {strides = array<i32>} : memref<512xi32, #tpu.memory_space<vmem>>, vector<16xi32>,
    %get3A_851 = arith.constant 464 : index
    %get3A_852 = tpu.vector_load %arg8[%get3A_851] {strides = array<i32>} : memref<512xi32, #tpu.memory_space<vmem>>, vector<16xi32>,
    %get3A_853 = vector.shape_cast %get3A_852 : vector<16xi32> to vector<16xi32>
    %mul3A_854 = arith.constant 4 : i32
    %mul3A_855 = vector.broadcast %mul3A_854 : i32 to vector<16xi32>
    %mul3A_856 = arith.muli %get3A_853, %mul3A_855 : vector<16xi32>
    %get3A_857 = arith.constant 464 : index
    %get3A_858 = tpu.vector_load %arg9[%get3A_857] {strides = array<i32>} : memref<512xi32, #tpu.memory_space<vmem>>, vector<16xi32>,
    %get3A_859 = vector.shape_cast %get3A_858 : vector<16xi32> to vector<16xi32>
    %add3A_860 = arith.addi %mul3A_856, %get3A_859 : vector<16xi32>
    %mul3A_861 = arith.constant 2 : i32
    %mul3A_862 = vector.broadcast %mul3A_861 : i32 to vector<16xi32>
    %mul3A_863 = arith.muli %add3A_860, %mul3A_862 : vector<16xi32>
    %get3A_864 = arith.constant 464 : index
    %get3A_865 = tpu.vector_load %arg10[%get3A_864] {strides = array<i32>} : memref<512xi32, #tpu.memory_space<vmem>>, vector<16xi32>,
    %get3A_866 = vector.shape_cast %get3A_865 : vector<16xi32> to vector<16xi32>
    %add3A_867 = arith.addi %mul3A_863, %get3A_866 : vector<16xi32>
    %mul3A_868 = arith.constant 3 : i32
    %mul3A_869 = vector.broadcast %mul3A_868 : i32 to vector<16xi32>
    %mul3A_870 = arith.muli %add3A_867, %mul3A_869 : vector<16xi32>
    %get3A_871 = arith.constant 464 : index
    %get3A_872 = tpu.vector_load %arg11[%get3A_871] {strides = array<i32>} : memref<512xi32, #tpu.memory_space<vmem>>, vector<16xi32>,
    %get3A_873 = vector.shape_cast %get3A_872 : vector<16xi32> to vector<16xi32>
    %add3A_874 = arith.addi %mul3A_870, %get3A_873 : vector<16xi32>
    %swap3A_875 = arith.constant 464 : index
    %swap3A_876 = tpu.vector_load %arg12[%swap3A_875] {strides = array<i32>} : memref<512xi32, #tpu.memory_space<vmem>>, vector<16xi32>,
    %swap3A_877 = vector.shape_cast %swap3A_876 : vector<16xi32> to vector<16xi32>
    %swap3A_878 = vector.shape_cast %add3A_874 : vector<16xi32> to vector<16xi32>
    tpu.vector_store %arg12[%swap3A_875], %swap3A_878 {strides = array<i32>} : memref<512xi32, #tpu.memory_space<vmem>>, vector<16xi32>,
    %get3A_879 = arith.constant 480 : index
    %get3A_880 = tpu.vector_load %arg8[%get3A_879] {strides = array<i32>} : memref<512xi32, #tpu.memory_space<vmem>>, vector<16xi32>,
    %get3A_881 = vector.shape_cast %get3A_880 : vector<16xi32> to vector<16xi32>
    %mul3A_882 = arith.constant 4 : i32
    %mul3A_883 = vector.broadcast %mul3A_882 : i32 to vector<16xi32>
    %mul3A_884 = arith.muli %get3A_881, %mul3A_883 : vector<16xi32>
    %get3A_885 = arith.constant 480 : index
    %get3A_886 = tpu.vector_load %arg9[%get3A_885] {strides = array<i32>} : memref<512xi32, #tpu.memory_space<vmem>>, vector<16xi32>,
    %get3A_887 = vector.shape_cast %get3A_886 : vector<16xi32> to vector<16xi32>
    %add3A_888 = arith.addi %mul3A_884, %get3A_887 : vector<16xi32>
    %mul3A_889 = arith.constant 2 : i32
    %mul3A_890 = vector.broadcast %mul3A_889 : i32 to vector<16xi32>
    %mul3A_891 = arith.muli %add3A_888, %mul3A_890 : vector<16xi32>
    %get3A_892 = arith.constant 480 : index
    %get3A_893 = tpu.vector_load %arg10[%get3A_892] {strides = array<i32>} : memref<512xi32, #tpu.memory_space<vmem>>, vector<16xi32>,
    %get3A_894 = vector.shape_cast %get3A_893 : vector<16xi32> to vector<16xi32>
    %add3A_895 = arith.addi %mul3A_891, %get3A_894 : vector<16xi32>
    %mul3A_896 = arith.constant 3 : i32
    %mul3A_897 = vector.broadcast %mul3A_896 : i32 to vector<16xi32>
    %mul3A_898 = arith.muli %add3A_895, %mul3A_897 : vector<16xi32>
    %get3A_899 = arith.constant 480 : index
    %get3A_900 = tpu.vector_load %arg11[%get3A_899] {strides = array<i32>} : memref<512xi32, #tpu.memory_space<vmem>>, vector<16xi32>,
    %get3A_901 = vector.shape_cast %get3A_900 : vector<16xi32> to vector<16xi32>
    %add3A_902 = arith.addi %mul3A_898, %get3A_901 : vector<16xi32>
    %swap3A_903 = arith.constant 480 : index
    %swap3A_904 = tpu.vector_load %arg12[%swap3A_903] {strides = array<i32>} : memref<512xi32, #tpu.memory_space<vmem>>, vector<16xi32>,
    %swap3A_905 = vector.shape_cast %swap3A_904 : vector<16xi32> to vector<16xi32>
    %swap3A_906 = vector.shape_cast %add3A_902 : vector<16xi32> to vector<16xi32>
    tpu.vector_store %arg12[%swap3A_903], %swap3A_906 {strides = array<i32>} : memref<512xi32, #tpu.memory_space<vmem>>, vector<16xi32>,
    %get3A_907 = arith.constant 496 : index
    %get3A_908 = tpu.vector_load %arg8[%get3A_907] {strides = array<i32>} : memref<512xi32, #tpu.memory_space<vmem>>, vector<16xi32>,
    %get3A_909 = vector.shape_cast %get3A_908 : vector<16xi32> to vector<16xi32>
    %mul3A_910 = arith.constant 4 : i32
    %mul3A_911 = vector.broadcast %mul3A_910 : i32 to vector<16xi32>
    %mul3A_912 = arith.muli %get3A_909, %mul3A_911 : vector<16xi32>
    %get3A_913 = arith.constant 496 : index
    %get3A_914 = tpu.vector_load %arg9[%get3A_913] {strides = array<i32>} : memref<512xi32, #tpu.memory_space<vmem>>, vector<16xi32>,
    %get3A_915 = vector.shape_cast %get3A_914 : vector<16xi32> to vector<16xi32>
    %add3A_916 = arith.addi %mul3A_912, %get3A_915 : vector<16xi32>
    %mul3A_917 = arith.constant 2 : i32
    %mul3A_918 = vector.broadcast %mul3A_917 : i32 to vector<16xi32>
    %mul3A_919 = arith.muli %add3A_916, %mul3A_918 : vector<16xi32>
    %get3A_920 = arith.constant 496 : index
    %get3A_921 = tpu.vector_load %arg10[%get3A_920] {strides = array<i32>} : memref<512xi32, #tpu.memory_space<vmem>>, vector<16xi32>,
    %get3A_922 = vector.shape_cast %get3A_921 : vector<16xi32> to vector<16xi32>
    %add3A_923 = arith.addi %mul3A_919, %get3A_922 : vector<16xi32>
    %mul3A_924 = arith.constant 3 : i32
    %mul3A_925 = vector.broadcast %mul3A_924 : i32 to vector<16xi32>
    %mul3A_926 = arith.muli %add3A_923, %mul3A_925 : vector<16xi32>
    %get3A_927 = arith.constant 496 : index
    %get3A_928 = tpu.vector_load %arg11[%get3A_927] {strides = array<i32>} : memref<512xi32, #tpu.memory_space<vmem>>, vector<16xi32>,
    %get3A_929 = vector.shape_cast %get3A_928 : vector<16xi32> to vector<16xi32>
    %add3A_930 = arith.addi %mul3A_926, %get3A_929 : vector<16xi32>
    %swap3A_931 = arith.constant 496 : index
    %swap3A_932 = tpu.vector_load %arg12[%swap3A_931] {strides = array<i32>} : memref<512xi32, #tpu.memory_space<vmem>>, vector<16xi32>,
    %swap3A_933 = vector.shape_cast %swap3A_932 : vector<16xi32> to vector<16xi32>
    %swap3A_934 = vector.shape_cast %add3A_930 : vector<16xi32> to vector<16xi32>
    tpu.vector_store %arg12[%swap3A_931], %swap3A_934 {strides = array<i32>} : memref<512xi32, #tpu.memory_space<vmem>>, vector<16xi32>,
    %dma_start3A_935 = arith.constant 384 : i32
    %dma_start3A_936 = arith.constant 0 : i32
    %dma_start3A_937 = tpu.memref_slice %arg13[%dma_start3A_935, %dma_start3A_936] : memref<512x128xf32, #tpu.memory_space<vmem>> -> memref<128x128xf32, #tpu.memory_space<vmem>>
    %dma_start3A_938 = arith.constant 384 : i32
    %dma_start3A_939 = tpu.memref_slice %arg12[%dma_start3A_938] : memref<512xi32, #tpu.memory_space<vmem>> -> memref<128xi32, #tpu.memory_space<vmem>>
    %dma_start3A_940 = arith.constant 0 : i32
    %dma_start3A_941 = arith.constant 0 : i32
    %dma_start3A_942 = tpu.memref_slice %arg2[%dma_start3A_940, %dma_start3A_941] : memref<96x128xf32, #tpu.memory_space<hbm>> -> memref<96x128xf32, #tpu.memory_space<hbm>>
    tpu.enqueue_indirect_dma source(%dma_start3A_942 : memref<96x128xf32, #tpu.memory_space<hbm>>) target(%dma_start3A_937 : memref<128x128xf32, #tpu.memory_space<vmem>>) offsets(%dma_start3A_939 : memref<128xi32, #tpu.memory_space<vmem>>) semaphore(%arg14 : memref<!tpu.dma_semaphore, #tpu.memory_space<semaphore_mem>>)
    %dma_wait3A_943 = arith.constant 0 : i32
    %dma_wait3A_944 = arith.constant 0 : i32
    %dma_wait3A_945 = tpu.memref_slice %arg13[%dma_wait3A_943, %dma_wait3A_944] : memref<512x128xf32, #tpu.memory_space<vmem>> -> memref<128x128xf32, #tpu.memory_space<vmem>>
    %dma_wait3A_946 = arith.constant 0 : i32
    %dma_wait3A_947 = tpu.memref_slice %arg12[%dma_wait3A_946] : memref<512xi32, #tpu.memory_space<vmem>> -> memref<128xi32, #tpu.memory_space<vmem>>
    %dma_wait3A_948 = arith.constant 0 : i32
    %dma_wait3A_949 = arith.constant 0 : i32
    %dma_wait3A_950 = tpu.memref_slice %arg2[%dma_wait3A_948, %dma_wait3A_949] : memref<96x128xf32, #tpu.memory_space<hbm>> -> memref<96x128xf32, #tpu.memory_space<hbm>>
    tpu.wait_indirect_dma semaphore(%arg14 : memref<!tpu.dma_semaphore, #tpu.memory_space<semaphore_mem>>) src(%dma_wait3A_950 : memref<96x128xf32, #tpu.memory_space<hbm>>) dst(%dma_wait3A_945 : memref<128x128xf32, #tpu.memory_space<vmem>>)
    %add3A_951 = arith.constant 0 : i32
    %add3A_952 = arith.addi %mul3A_2, %add3A_951 : i32
    %dma_start3A_953 = arith.constant 0 : i32
    %dma_start3A_954 = arith.constant 0 : i32
    %dma_start3A_955 = tpu.memref_slice %arg13[%dma_start3A_953, %dma_start3A_954] : memref<512x128xf32, #tpu.memory_space<vmem>> -> memref<128x128xf32, #tpu.memory_space<vmem>>
    %dma_start3A_956 = arith.constant 0 : i32
    %dma_start3A_957 = tpu.memref_slice %arg7[%add3A_952, %dma_start3A_956] : memref<16384x128xf32, #tpu.memory_space<hbm>> -> memref<128x128xf32, #tpu.memory_space<hbm>>
    %dma_start3A_958 = arith.constant 0 : i32
    %dma_start3A_959 = tpu.memref_slice %arg7[%add3A_952, %dma_start3A_958] : memref<16384x128xf32, #tpu.memory_space<hbm>> -> memref<128x128xf32, #tpu.memory_space<hbm>>
    %dma_start3A_960 = arith.constant 0 : i32
    %dma_start3A_961 = arith.constant 0 : i32
    %dma_start3A_962 = tpu.memref_slice %arg13[%dma_start3A_960, %dma_start3A_961] : memref<512x128xf32, #tpu.memory_space<vmem>> -> memref<128x128xf32, #tpu.memory_space<vmem>>
    tpu.enqueue_dma source(%dma_start3A_962 : memref<128x128xf32, #tpu.memory_space<vmem>>) target(%dma_start3A_959 : memref<128x128xf32, #tpu.memory_space<hbm>>) target_semaphore(%arg15 : memref<!tpu.dma_semaphore, #tpu.memory_space<semaphore_mem>>)
    %dma_wait3A_963 = arith.constant 128 : i32
    %dma_wait3A_964 = arith.constant 0 : i32
    %dma_wait3A_965 = tpu.memref_slice %arg13[%dma_wait3A_963, %dma_wait3A_964] : memref<512x128xf32, #tpu.memory_space<vmem>> -> memref<128x128xf32, #tpu.memory_space<vmem>>
    %dma_wait3A_966 = arith.constant 128 : i32
    %dma_wait3A_967 = tpu.memref_slice %arg12[%dma_wait3A_966] : memref<512xi32, #tpu.memory_space<vmem>> -> memref<128xi32, #tpu.memory_space<vmem>>
    %dma_wait3A_968 = arith.constant 0 : i32
    %dma_wait3A_969 = arith.constant 0 : i32
    %dma_wait3A_970 = tpu.memref_slice %arg2[%dma_wait3A_968, %dma_wait3A_969] : memref<96x128xf32, #tpu.memory_space<hbm>> -> memref<96x128xf32, #tpu.memory_space<hbm>>
    tpu.wait_indirect_dma semaphore(%arg14 : memref<!tpu.dma_semaphore, #tpu.memory_space<semaphore_mem>>) src(%dma_wait3A_970 : memref<96x128xf32, #tpu.memory_space<hbm>>) dst(%dma_wait3A_965 : memref<128x128xf32, #tpu.memory_space<vmem>>)
    %add3A_971 = arith.constant 128 : i32
    %add3A_972 = arith.addi %mul3A_2, %add3A_971 : i32
    %dma_start3A_973 = arith.constant 128 : i32
    %dma_start3A_974 = arith.constant 0 : i32
    %dma_start3A_975 = tpu.memref_slice %arg13[%dma_start3A_973, %dma_start3A_974] : memref<512x128xf32, #tpu.memory_space<vmem>> -> memref<128x128xf32, #tpu.memory_space<vmem>>
    %dma_start3A_976 = arith.constant 0 : i32
    %dma_start3A_977 = tpu.memref_slice %arg7[%add3A_972, %dma_start3A_976] : memref<16384x128xf32, #tpu.memory_space<hbm>> -> memref<128x128xf32, #tpu.memory_space<hbm>>
    %dma_start3A_978 = arith.constant 0 : i32
    %dma_start3A_979 = tpu.memref_slice %arg7[%add3A_972, %dma_start3A_978] : memref<16384x128xf32, #tpu.memory_space<hbm>> -> memref<128x128xf32, #tpu.memory_space<hbm>>
    %dma_start3A_980 = arith.constant 128 : i32
    %dma_start3A_981 = arith.constant 0 : i32
    %dma_start3A_982 = tpu.memref_slice %arg13[%dma_start3A_980, %dma_start3A_981] : memref<512x128xf32, #tpu.memory_space<vmem>> -> memref<128x128xf32, #tpu.memory_space<vmem>>
    tpu.enqueue_dma source(%dma_start3A_982 : memref<128x128xf32, #tpu.memory_space<vmem>>) target(%dma_start3A_979 : memref<128x128xf32, #tpu.memory_space<hbm>>) target_semaphore(%arg15 : memref<!tpu.dma_semaphore, #tpu.memory_space<semaphore_mem>>)
    %dma_wait3A_983 = arith.constant 256 : i32
    %dma_wait3A_984 = arith.constant 0 : i32
    %dma_wait3A_985 = tpu.memref_slice %arg13[%dma_wait3A_983, %dma_wait3A_984] : memref<512x128xf32, #tpu.memory_space<vmem>> -> memref<128x128xf32, #tpu.memory_space<vmem>>
    %dma_wait3A_986 = arith.constant 256 : i32
    %dma_wait3A_987 = tpu.memref_slice %arg12[%dma_wait3A_986] : memref<512xi32, #tpu.memory_space<vmem>> -> memref<128xi32, #tpu.memory_space<vmem>>
    %dma_wait3A_988 = arith.constant 0 : i32
    %dma_wait3A_989 = arith.constant 0 : i32
    %dma_wait3A_990 = tpu.memref_slice %arg2[%dma_wait3A_988, %dma_wait3A_989] : memref<96x128xf32, #tpu.memory_space<hbm>> -> memref<96x128xf32, #tpu.memory_space<hbm>>
    tpu.wait_indirect_dma semaphore(%arg14 : memref<!tpu.dma_semaphore, #tpu.memory_space<semaphore_mem>>) src(%dma_wait3A_990 : memref<96x128xf32, #tpu.memory_space<hbm>>) dst(%dma_wait3A_985 : memref<128x128xf32, #tpu.memory_space<vmem>>)
    %add3A_991 = arith.constant 256 : i32
    %add3A_992 = arith.addi %mul3A_2, %add3A_991 : i32
    %dma_start3A_993 = arith.constant 256 : i32
    %dma_start3A_994 = arith.constant 0 : i32
    %dma_start3A_995 = tpu.memref_slice %arg13[%dma_start3A_993, %dma_start3A_994] : memref<512x128xf32, #tpu.memory_space<vmem>> -> memref<128x128xf32, #tpu.memory_space<vmem>>
    %dma_start3A_996 = arith.constant 0 : i32
    %dma_start3A_997 = tpu.memref_slice %arg7[%add3A_992, %dma_start3A_996] : memref<16384x128xf32, #tpu.memory_space<hbm>> -> memref<128x128xf32, #tpu.memory_space<hbm>>
    %dma_start3A_998 = arith.constant 0 : i32
    %dma_start3A_999 = tpu.memref_slice %arg7[%add3A_992, %dma_start3A_998] : memref<16384x128xf32, #tpu.memory_space<hbm>> -> memref<128x128xf32, #tpu.memory_space<hbm>>
    %dma_start3A_1000 = arith.constant 256 : i32
    %dma_start3A_1001 = arith.constant 0 : i32
    %dma_start3A_1002 = tpu.memref_slice %arg13[%dma_start3A_1000, %dma_start3A_1001] : memref<512x128xf32, #tpu.memory_space<vmem>> -> memref<128x128xf32, #tpu.memory_space<vmem>>
    tpu.enqueue_dma source(%dma_start3A_1002 : memref<128x128xf32, #tpu.memory_space<vmem>>) target(%dma_start3A_999 : memref<128x128xf32, #tpu.memory_space<hbm>>) target_semaphore(%arg15 : memref<!tpu.dma_semaphore, #tpu.memory_space<semaphore_mem>>)
    %dma_wait3A_1003 = arith.constant 384 : i32
    %dma_wait3A_1004 = arith.constant 0 : i32
    %dma_wait3A_1005 = tpu.memref_slice %arg13[%dma_wait3A_1003, %dma_wait3A_1004] : memref<512x128xf32, #tpu.memory_space<vmem>> -> memref<128x128xf32, #tpu.memory_space<vmem>>
    %dma_wait3A_1006 = arith.constant 384 : i32
    %dma_wait3A_1007 = tpu.memref_slice %arg12[%dma_wait3A_1006] : memref<512xi32, #tpu.memory_space<vmem>> -> memref<128xi32, #tpu.memory_space<vmem>>
    %dma_wait3A_1008 = arith.constant 0 : i32
    %dma_wait3A_1009 = arith.constant 0 : i32
    %dma_wait3A_1010 = tpu.memref_slice %arg2[%dma_wait3A_1008, %dma_wait3A_1009] : memref<96x128xf32, #tpu.memory_space<hbm>> -> memref<96x128xf32, #tpu.memory_space<hbm>>
    tpu.wait_indirect_dma semaphore(%arg14 : memref<!tpu.dma_semaphore, #tpu.memory_space<semaphore_mem>>) src(%dma_wait3A_1010 : memref<96x128xf32, #tpu.memory_space<hbm>>) dst(%dma_wait3A_1005 : memref<128x128xf32, #tpu.memory_space<vmem>>)
    %add3A_1011 = arith.constant 384 : i32
    %add3A_1012 = arith.addi %mul3A_2, %add3A_1011 : i32
    %dma_start3A_1013 = arith.constant 384 : i32
    %dma_start3A_1014 = arith.constant 0 : i32
    %dma_start3A_1015 = tpu.memref_slice %arg13[%dma_start3A_1013, %dma_start3A_1014] : memref<512x128xf32, #tpu.memory_space<vmem>> -> memref<128x128xf32, #tpu.memory_space<vmem>>
    %dma_start3A_1016 = arith.constant 0 : i32
    %dma_start3A_1017 = tpu.memref_slice %arg7[%add3A_1012, %dma_start3A_1016] : memref<16384x128xf32, #tpu.memory_space<hbm>> -> memref<128x128xf32, #tpu.memory_space<hbm>>
    %dma_start3A_1018 = arith.constant 0 : i32
    %dma_start3A_1019 = tpu.memref_slice %arg7[%add3A_1012, %dma_start3A_1018] : memref<16384x128xf32, #tpu.memory_space<hbm>> -> memref<128x128xf32, #tpu.memory_space<hbm>>
    %dma_start3A_1020 = arith.constant 384 : i32
    %dma_start3A_1021 = arith.constant 0 : i32
    %dma_start3A_1022 = tpu.memref_slice %arg13[%dma_start3A_1020, %dma_start3A_1021] : memref<512x128xf32, #tpu.memory_space<vmem>> -> memref<128x128xf32, #tpu.memory_space<vmem>>
    tpu.enqueue_dma source(%dma_start3A_1022 : memref<128x128xf32, #tpu.memory_space<vmem>>) target(%dma_start3A_1019 : memref<128x128xf32, #tpu.memory_space<hbm>>) target_semaphore(%arg15 : memref<!tpu.dma_semaphore, #tpu.memory_space<semaphore_mem>>)
    %dma_wait3A_1023 = arith.constant 0 : i32
    %dma_wait3A_1024 = arith.constant 0 : i32
    %dma_wait3A_1025 = tpu.memref_slice %arg13[%dma_wait3A_1023, %dma_wait3A_1024] : memref<512x128xf32, #tpu.memory_space<vmem>> -> memref<128x128xf32, #tpu.memory_space<vmem>>
    %dma_wait3A_1026 = arith.constant 0 : i32
    %dma_wait3A_1027 = tpu.memref_slice %arg7[%add3A_952, %dma_wait3A_1026] : memref<16384x128xf32, #tpu.memory_space<hbm>> -> memref<128x128xf32, #tpu.memory_space<hbm>>
    %dma_wait3A_1028 = arith.constant 0 : i32
    %dma_wait3A_1029 = tpu.memref_slice %arg7[%add3A_952, %dma_wait3A_1028] : memref<16384x128xf32, #tpu.memory_space<hbm>> -> memref<128x128xf32, #tpu.memory_space<hbm>>
    %dma_wait3A_1030 = arith.constant 0 : i32
    %dma_wait3A_1031 = arith.constant 0 : i32
    %dma_wait3A_1032 = tpu.memref_slice %arg13[%dma_wait3A_1030, %dma_wait3A_1031] : memref<512x128xf32, #tpu.memory_space<vmem>> -> memref<128x128xf32, #tpu.memory_space<vmem>>
    tpu.wait_dma2 semaphore(%arg15 : memref<!tpu.dma_semaphore, #tpu.memory_space<semaphore_mem>>) src(%dma_wait3A_1032 : memref<128x128xf32, #tpu.memory_space<vmem>>) dst(%dma_wait3A_1029 : memref<128x128xf32, #tpu.memory_space<hbm>>)
    %dma_wait3A_1033 = arith.constant 128 : i32
    %dma_wait3A_1034 = arith.constant 0 : i32
    %dma_wait3A_1035 = tpu.memref_slice %arg13[%dma_wait3A_1033, %dma_wait3A_1034] : memref<512x128xf32, #tpu.memory_space<vmem>> -> memref<128x128xf32, #tpu.memory_space<vmem>>
    %dma_wait3A_1036 = arith.constant 0 : i32
    %dma_wait3A_1037 = tpu.memref_slice %arg7[%add3A_972, %dma_wait3A_1036] : memref<16384x128xf32, #tpu.memory_space<hbm>> -> memref<128x128xf32, #tpu.memory_space<hbm>>
    %dma_wait3A_1038 = arith.constant 0 : i32
    %dma_wait3A_1039 = tpu.memref_slice %arg7[%add3A_972, %dma_wait3A_1038] : memref<16384x128xf32, #tpu.memory_space<hbm>> -> memref<128x128xf32, #tpu.memory_space<hbm>>
    %dma_wait3A_1040 = arith.constant 128 : i32
    %dma_wait3A_1041 = arith.constant 0 : i32
    %dma_wait3A_1042 = tpu.memref_slice %arg13[%dma_wait3A_1040, %dma_wait3A_1041] : memref<512x128xf32, #tpu.memory_space<vmem>> -> memref<128x128xf32, #tpu.memory_space<vmem>>
    tpu.wait_dma2 semaphore(%arg15 : memref<!tpu.dma_semaphore, #tpu.memory_space<semaphore_mem>>) src(%dma_wait3A_1042 : memref<128x128xf32, #tpu.memory_space<vmem>>) dst(%dma_wait3A_1039 : memref<128x128xf32, #tpu.memory_space<hbm>>)
    %dma_wait3A_1043 = arith.constant 256 : i32
    %dma_wait3A_1044 = arith.constant 0 : i32
    %dma_wait3A_1045 = tpu.memref_slice %arg13[%dma_wait3A_1043, %dma_wait3A_1044] : memref<512x128xf32, #tpu.memory_space<vmem>> -> memref<128x128xf32, #tpu.memory_space<vmem>>
    %dma_wait3A_1046 = arith.constant 0 : i32
    %dma_wait3A_1047 = tpu.memref_slice %arg7[%add3A_992, %dma_wait3A_1046] : memref<16384x128xf32, #tpu.memory_space<hbm>> -> memref<128x128xf32, #tpu.memory_space<hbm>>
    %dma_wait3A_1048 = arith.constant 0 : i32
    %dma_wait3A_1049 = tpu.memref_slice %arg7[%add3A_992, %dma_wait3A_1048] : memref<16384x128xf32, #tpu.memory_space<hbm>> -> memref<128x128xf32, #tpu.memory_space<hbm>>
    %dma_wait3A_1050 = arith.constant 256 : i32
    %dma_wait3A_1051 = arith.constant 0 : i32
    %dma_wait3A_1052 = tpu.memref_slice %arg13[%dma_wait3A_1050, %dma_wait3A_1051] : memref<512x128xf32, #tpu.memory_space<vmem>> -> memref<128x128xf32, #tpu.memory_space<vmem>>
    tpu.wait_dma2 semaphore(%arg15 : memref<!tpu.dma_semaphore, #tpu.memory_space<semaphore_mem>>) src(%dma_wait3A_1052 : memref<128x128xf32, #tpu.memory_space<vmem>>) dst(%dma_wait3A_1049 : memref<128x128xf32, #tpu.memory_space<hbm>>)
    %dma_wait3A_1053 = arith.constant 384 : i32
    %dma_wait3A_1054 = arith.constant 0 : i32
    %dma_wait3A_1055 = tpu.memref_slice %arg13[%dma_wait3A_1053, %dma_wait3A_1054] : memref<512x128xf32, #tpu.memory_space<vmem>> -> memref<128x128xf32, #tpu.memory_space<vmem>>
    %dma_wait3A_1056 = arith.constant 0 : i32
    %dma_wait3A_1057 = tpu.memref_slice %arg7[%add3A_1012, %dma_wait3A_1056] : memref<16384x128xf32, #tpu.memory_space<hbm>> -> memref<128x128xf32, #tpu.memory_space<hbm>>
    %dma_wait3A_1058 = arith.constant 0 : i32
    %dma_wait3A_1059 = tpu.memref_slice %arg7[%add3A_1012, %dma_wait3A_1058] : memref<16384x128xf32, #tpu.memory_space<hbm>> -> memref<128x128xf32, #tpu.memory_space<hbm>>
    %dma_wait3A_1060 = arith.constant 384 : i32
    %dma_wait3A_1061 = arith.constant 0 : i32
    %dma_wait3A_1062 = tpu.memref_slice %arg13[%dma_wait3A_1060, %dma_wait3A_1061] : memref<512x128xf32, #tpu.memory_space<vmem>> -> memref<128x128xf32, #tpu.memory_space<vmem>>
    tpu.wait_dma2 semaphore(%arg15 : memref<!tpu.dma_semaphore, #tpu.memory_space<semaphore_mem>>) src(%dma_wait3A_1062 : memref<128x128xf32, #tpu.memory_space<vmem>>) dst(%dma_wait3A_1059 : memref<128x128xf32, #tpu.memory_space<hbm>>)
    return
  }
}

module attributes {stable_mosaic.version = 14 : i64} {
  func.func @_tc_body(%arg0: i32, %arg1: memref<2048x128xf32, #tpu.memory_space<vmem>>, %arg2: memref<2048x12xf32, #tpu.memory_space<vmem>>, %arg3: memref<12x64xf32, #tpu.memory_space<vmem>>, %arg4: memref<1x64xf32, #tpu.memory_space<vmem>>, %arg5: memref<64x32xf32, #tpu.memory_space<vmem>>, %arg6: memref<128x128xf32, #tpu.memory_space<vmem>>, %arg7: memref<2048x128xf32, #tpu.memory_space<vmem>>, %arg8: memref<64x128xbf16, #tpu.memory_space<vmem>>) attributes {dimension_semantics = [#tpu.dimension_semantics<arbitrary>], iteration_bounds = array<i64: 8>, scalar_prefetch = 0 : i64, scratch_operands = 1 : i64, tpu.core_type = #tpu.core_type<tc>, window_params = [{transform_indices = @transform_0, window_bounds = array<i64: 2048, 128>}, {transform_indices = @transform_1, window_bounds = array<i64: 2048, 12>}, {pipeline_mode = #tpu.pipeline_mode<synchronous>, transform_indices = @transform_2, window_bounds = array<i64: 12, 64>}, {pipeline_mode = #tpu.pipeline_mode<synchronous>, transform_indices = @transform_3, window_bounds = array<i64: 1, 64>}, {pipeline_mode = #tpu.pipeline_mode<synchronous>, transform_indices = @transform_4, window_bounds = array<i64: 64, 32>}, {pipeline_mode = #tpu.pipeline_mode<synchronous>, transform_indices = @transform_5, window_bounds = array<i64: 128, 128>}, {transform_indices = @transform_6, window_bounds = array<i64: 2048, 128>}]} {
    %eq3A = arith.constant 0 : i32
    %eq3A_0 = arith.cmpi eq, %arg0, %eq3A : i32
    %convert_element_type3A = arith.extui %eq3A_0 : i1 to i32
    %cond3A = arith.constant 0 : i32
    %cond3A_1 = arith.cmpi ne, %convert_element_type3A, %cond3A : i32
    scf.if %cond3A_1 {
      %get3A_28 = arith.constant 0 : index
      %get3A_29 = arith.constant 0 : index
      %get3A_30 = vector.load %arg5[%get3A_28, %get3A_29] : memref<64x32xf32, #tpu.memory_space<vmem>>, vector<64x32xf32>
      %get3A_31 = arith.constant 96 : index
      %get3A_32 = arith.constant 0 : index
      %get3A_33 = vector.load %arg6[%get3A_31, %get3A_32] : memref<128x128xf32, #tpu.memory_space<vmem>>, vector<32x128xf32>
      %dot_general3A_34 = arith.constant dense<0.000000e+00> : vector<64x128xf32>
      %dot_general3A_35 = tpu.matmul %get3A_30, %get3A_33, %dot_general3A_34 {dimension_numbers = #tpu.dot_dimension_numbers<[1], [0], [0], [1], [0, 0, 1, 1], [], []>, transpose_lhs_hint = false} : vector<64x32xf32>, vector<32x128xf32>, vector<64x128xf32> -> vector<64x128xf32>
      %convert_element_type3A_36 = arith.truncf %dot_general3A_35 : vector<64x128xf32> to vector<64x128xbf16>
      %swap3A_37 = arith.constant 0 : index
      %swap3A_38 = arith.constant 0 : index
      %swap3A_39 = vector.load %arg8[%swap3A_37, %swap3A_38] : memref<64x128xbf16, #tpu.memory_space<vmem>>, vector<64x128xbf16>
      tpu.vector_store %arg8[%swap3A_37, %swap3A_38], %convert_element_type3A_36 {strides = array<i32>} : memref<64x128xbf16, #tpu.memory_space<vmem>>, vector<64x128xbf16>,
    } else {
    }
    %get3A = arith.constant 0 : index
    %get3A_2 = arith.constant 0 : index
    %get3A_3 = vector.load %arg2[%get3A, %get3A_2] : memref<2048x12xf32, #tpu.memory_space<vmem>>, vector<2048x12xf32>
    %convert_element_type3A_4 = arith.truncf %get3A_3 : vector<2048x12xf32> to vector<2048x12xbf16>
    %get3A_5 = arith.constant 0 : index
    %get3A_6 = arith.constant 0 : index
    %get3A_7 = vector.load %arg3[%get3A_5, %get3A_6] : memref<12x64xf32, #tpu.memory_space<vmem>>, vector<12x64xf32>
    %convert_element_type3A_8 = arith.truncf %get3A_7 : vector<12x64xf32> to vector<12x64xbf16>
    %dot_general3A = arith.constant dense<0.000000e+00> : vector<2048x64xf32>
    %dot_general3A_9 = tpu.matmul %convert_element_type3A_4, %convert_element_type3A_8, %dot_general3A {dimension_numbers = #tpu.dot_dimension_numbers<[1], [0], [0], [1], [0, 0, 1, 1], [], []>, transpose_lhs_hint = false} : vector<2048x12xbf16>, vector<12x64xbf16>, vector<2048x64xf32> -> vector<2048x64xf32>
    %get3A_10 = arith.constant 0 : index
    %get3A_11 = arith.constant 0 : index
    %get3A_12 = vector.load %arg4[%get3A_10, %get3A_11] : memref<1x64xf32, #tpu.memory_space<vmem>>, vector<1x64xf32>
    %add3A = vector.broadcast %get3A_12 : vector<1x64xf32> to vector<2048x64xf32>
    %add3A_13 = arith.addf %dot_general3A_9, %add3A : vector<2048x64xf32>
    %max3A = arith.constant 0.000000e+00 : f32
    %max3A_14 = vector.broadcast %max3A : f32 to vector<2048x64xf32>
    %max3A_15 = arith.maximumf %add3A_13, %max3A_14 : vector<2048x64xf32>
    %get3A_16 = arith.constant 0 : index
    %get3A_17 = arith.constant 0 : index
    %get3A_18 = vector.load %arg1[%get3A_16, %get3A_17] : memref<2048x128xf32, #tpu.memory_space<vmem>>, vector<2048x128xf32>
    %convert_element_type3A_19 = arith.truncf %max3A_15 : vector<2048x64xf32> to vector<2048x64xbf16>
    %get3A_20 = arith.constant 0 : index
    %get3A_21 = arith.constant 0 : index
    %get3A_22 = vector.load %arg8[%get3A_20, %get3A_21] : memref<64x128xbf16, #tpu.memory_space<vmem>>, vector<64x128xbf16>
    %dot_general3A_23 = arith.constant dense<0.000000e+00> : vector<2048x128xf32>
    %dot_general3A_24 = tpu.matmul %convert_element_type3A_19, %get3A_22, %dot_general3A_23 {dimension_numbers = #tpu.dot_dimension_numbers<[1], [0], [0], [1], [0, 0, 1, 1], [], []>, transpose_lhs_hint = false} : vector<2048x64xbf16>, vector<64x128xbf16>, vector<2048x128xf32> -> vector<2048x128xf32>
    %add3A_25 = arith.addf %get3A_18, %dot_general3A_24 : vector<2048x128xf32>
    %swap3A = arith.constant 0 : index
    %swap3A_26 = arith.constant 0 : index
    %swap3A_27 = vector.load %arg7[%swap3A, %swap3A_26] : memref<2048x128xf32, #tpu.memory_space<vmem>>, vector<2048x128xf32>
    tpu.vector_store %arg7[%swap3A, %swap3A_26], %add3A_25 {strides = array<i32>} : memref<2048x128xf32, #tpu.memory_space<vmem>>, vector<2048x128xf32>,
    return
  }
  func.func @transform_0(%arg0: i32) -> (i32, i32) {
    %c0_i32 = arith.constant 0 : i32
    %c0_i32_0 = arith.constant 0 : i32
    return %arg0, %c0_i32 : i32, i32
  }
  func.func @transform_1(%arg0: i32) -> (i32, i32) {
    %c0_i32 = arith.constant 0 : i32
    %c0_i32_0 = arith.constant 0 : i32
    return %arg0, %c0_i32 : i32, i32
  }
  func.func @transform_2(%arg0: i32) -> (i32, i32) {
    %c0_i32 = arith.constant 0 : i32
    %c0_i32_0 = arith.constant 0 : i32
    %c0_i32_1 = arith.constant 0 : i32
    return %c0_i32, %c0_i32_0 : i32, i32
  }
  func.func @transform_3(%arg0: i32) -> (i32, i32) {
    %c0_i32 = arith.constant 0 : i32
    %c0_i32_0 = arith.constant 0 : i32
    %c0_i32_1 = arith.constant 0 : i32
    return %c0_i32, %c0_i32_0 : i32, i32
  }
  func.func @transform_4(%arg0: i32) -> (i32, i32) {
    %c0_i32 = arith.constant 0 : i32
    %c0_i32_0 = arith.constant 0 : i32
    %c0_i32_1 = arith.constant 0 : i32
    return %c0_i32, %c0_i32_0 : i32, i32
  }
  func.func @transform_5(%arg0: i32) -> (i32, i32) {
    %c0_i32 = arith.constant 0 : i32
    %c0_i32_0 = arith.constant 0 : i32
    %c0_i32_1 = arith.constant 0 : i32
    return %c0_i32, %c0_i32_0 : i32, i32
  }
  func.func @transform_6(%arg0: i32) -> (i32, i32) {
    %c0_i32 = arith.constant 0 : i32
    %c0_i32_0 = arith.constant 0 : i32
    return %arg0, %c0_i32 : i32, i32
  }
}

module attributes {stable_mosaic.version = 14 : i64} {
  func.func @_combo_body(%arg0: memref<4x32xf32, #tpu.memory_space<vmem>>, %arg1: memref<4x32xf32, #tpu.memory_space<vmem>>, %arg2: memref<2x16xf32, #tpu.memory_space<vmem>>, %arg3: memref<3x16xf32, #tpu.memory_space<vmem>>, %arg4: memref<64x32xf32, #tpu.memory_space<vmem>>, %arg5: memref<1x32xf32, #tpu.memory_space<vmem>>, %arg6: memref<128x128xf32, #tpu.memory_space<vmem>>, %arg7: memref<1x128xf32, #tpu.memory_space<vmem>>, %arg8: memref<96x128xf32, #tpu.memory_space<vmem>>) attributes {dimension_semantics = [], scalar_prefetch = 0 : i64, scratch_operands = 0 : i64, tpu.core_type = #tpu.core_type<tc>} {
    %get3A = arith.constant 0 : index
    %get3A_0 = arith.constant 0 : index
    %get3A_1 = vector.load %arg6[%get3A, %get3A_0] : memref<128x128xf32, #tpu.memory_space<vmem>>, vector<128x128xf32>
    %get3A_2 = arith.constant 0 : index
    %get3A_3 = arith.constant 0 : index
    %get3A_4 = vector.load %arg0[%get3A_2, %get3A_3] : memref<4x32xf32, #tpu.memory_space<vmem>>, vector<4x32xf32>
    %slice3A = vector.extract_strided_slice %get3A_1 {offsets = [0, 0], sizes = [32, 128], strides = [1, 1]} : vector<128x128xf32> to vector<32x128xf32>
    %dot_general3A = arith.constant dense<0.000000e+00> : vector<4x128xf32>
    %dot_general3A_5 = tpu.matmul %get3A_4, %slice3A, %dot_general3A {dimension_numbers = #tpu.dot_dimension_numbers<[1], [0], [0], [1], [0, 0, 1, 1], [], []>, transpose_lhs_hint = false} : vector<4x32xf32>, vector<32x128xf32>, vector<4x128xf32> -> vector<4x128xf32>
    %get3A_6 = arith.constant 0 : index
    %get3A_7 = arith.constant 0 : index
    %get3A_8 = vector.load %arg1[%get3A_6, %get3A_7] : memref<4x32xf32, #tpu.memory_space<vmem>>, vector<4x32xf32>
    %slice3A_9 = vector.extract_strided_slice %get3A_1 {offsets = [32, 0], sizes = [32, 128], strides = [1, 1]} : vector<128x128xf32> to vector<32x128xf32>
    %dot_general3A_10 = arith.constant dense<0.000000e+00> : vector<4x128xf32>
    %dot_general3A_11 = tpu.matmul %get3A_8, %slice3A_9, %dot_general3A_10 {dimension_numbers = #tpu.dot_dimension_numbers<[1], [0], [0], [1], [0, 0, 1, 1], [], []>, transpose_lhs_hint = false} : vector<4x32xf32>, vector<32x128xf32>, vector<4x128xf32> -> vector<4x128xf32>
    %get3A_12 = arith.constant 0 : index
    %get3A_13 = arith.constant 0 : index
    %get3A_14 = vector.load %arg2[%get3A_12, %get3A_13] : memref<2x16xf32, #tpu.memory_space<vmem>>, vector<2x16xf32>
    %slice3A_15 = vector.extract_strided_slice %get3A_1 {offsets = [64, 0], sizes = [16, 128], strides = [1, 1]} : vector<128x128xf32> to vector<16x128xf32>
    %dot_general3A_16 = arith.constant dense<0.000000e+00> : vector<2x128xf32>
    %dot_general3A_17 = tpu.matmul %get3A_14, %slice3A_15, %dot_general3A_16 {dimension_numbers = #tpu.dot_dimension_numbers<[1], [0], [0], [1], [0, 0, 1, 1], [], []>, transpose_lhs_hint = false} : vector<2x16xf32>, vector<16x128xf32>, vector<2x128xf32> -> vector<2x128xf32>
    %get3A_18 = arith.constant 0 : index
    %get3A_19 = arith.constant 0 : index
    %get3A_20 = vector.load %arg3[%get3A_18, %get3A_19] : memref<3x16xf32, #tpu.memory_space<vmem>>, vector<3x16xf32>
    %slice3A_21 = vector.extract_strided_slice %get3A_1 {offsets = [80, 0], sizes = [16, 128], strides = [1, 1]} : vector<128x128xf32> to vector<16x128xf32>
    %dot_general3A_22 = arith.constant dense<0.000000e+00> : vector<3x128xf32>
    %dot_general3A_23 = tpu.matmul %get3A_20, %slice3A_21, %dot_general3A_22 {dimension_numbers = #tpu.dot_dimension_numbers<[1], [0], [0], [1], [0, 0, 1, 1], [], []>, transpose_lhs_hint = false} : vector<3x16xf32>, vector<16x128xf32>, vector<3x128xf32> -> vector<3x128xf32>
    %get3A_24 = arith.constant 0 : index
    %get3A_25 = arith.constant 0 : index
    %get3A_26 = vector.load %arg5[%get3A_24, %get3A_25] : memref<1x32xf32, #tpu.memory_space<vmem>>, vector<1x32xf32>
    %slice3A_27 = vector.extract_strided_slice %get3A_1 {offsets = [96, 0], sizes = [32, 128], strides = [1, 1]} : vector<128x128xf32> to vector<32x128xf32>
    %dot_general3A_28 = arith.constant dense<0.000000e+00> : vector<1x128xf32>
    %dot_general3A_29 = tpu.matmul %get3A_26, %slice3A_27, %dot_general3A_28 {dimension_numbers = #tpu.dot_dimension_numbers<[1], [0], [0], [1], [0, 0, 1, 1], [], []>, transpose_lhs_hint = false} : vector<1x32xf32>, vector<32x128xf32>, vector<1x128xf32> -> vector<1x128xf32>
    %get3A_30 = arith.constant 0 : index
    %get3A_31 = arith.constant 0 : index
    %get3A_32 = vector.load %arg7[%get3A_30, %get3A_31] : memref<1x128xf32, #tpu.memory_space<vmem>>, vector<1x128xf32>
    %add3A = arith.addf %dot_general3A_29, %get3A_32 : vector<1x128xf32>
    %iota3A = tpu.iota {dimensions = array<i32: 0>} : vector<96x4xi32>
    %iota3A_33 = tpu.iota {dimensions = array<i32: 1>} : vector<96x4xi32>
    %jit3A = arith.constant 24 : i32
    %div3A = vector.broadcast %jit3A : i32 to vector<96x4xi32>
    %div3A_34 = arith.divsi %iota3A, %div3A : vector<96x4xi32>
    %sign3A = arith.constant 0 : i32
    %sign3A_35 = vector.broadcast %sign3A : i32 to vector<96x4xi32>
    %sign3A_36 = arith.cmpi sgt, %iota3A, %sign3A_35 : vector<96x4xi32>
    %sign3A_37 = arith.extui %sign3A_36 : vector<96x4xi1> to vector<96x4xi32>
    %sign3A_38 = arith.constant 0 : i32
    %sign3A_39 = vector.broadcast %sign3A_38 : i32 to vector<96x4xi32>
    %sign3A_40 = arith.cmpi slt, %iota3A, %sign3A_39 : vector<96x4xi32>
    %sign3A_41 = arith.extui %sign3A_40 : vector<96x4xi1> to vector<96x4xi32>
    %sign3A_42 = arith.subi %sign3A_37, %sign3A_41 : vector<96x4xi32>
    %sign3A_43 = arith.constant 0 : i32
    %sign3A_44 = arith.cmpi sgt, %jit3A, %sign3A_43 : i32
    %sign3A_45 = arith.extui %sign3A_44 : i1 to i32
    %sign3A_46 = arith.constant 0 : i32
    %sign3A_47 = arith.cmpi slt, %jit3A, %sign3A_46 : i32
    %sign3A_48 = arith.extui %sign3A_47 : i1 to i32
    %sign3A_49 = arith.subi %sign3A_45, %sign3A_48 : i32
    %ne3A = vector.broadcast %sign3A_49 : i32 to vector<96x4xi32>
    %ne3A_50 = arith.cmpi ne, %sign3A_42, %ne3A : vector<96x4xi32>
    %rem3A = vector.broadcast %jit3A : i32 to vector<96x4xi32>
    %rem3A_51 = arith.remsi %iota3A, %rem3A : vector<96x4xi32>
    %ne3A_52 = arith.constant 0 : i32
    %ne3A_53 = vector.broadcast %ne3A_52 : i32 to vector<96x4xi32>
    %ne3A_54 = arith.cmpi ne, %rem3A_51, %ne3A_53 : vector<96x4xi32>
    %and3A = arith.andi %ne3A_50, %ne3A_54 : vector<96x4xi1>
    %sub3A = arith.constant 1 : i32
    %sub3A_55 = vector.broadcast %sub3A : i32 to vector<96x4xi32>
    %sub3A_56 = arith.subi %div3A_34, %sub3A_55 : vector<96x4xi32>
    %select_n3A = arith.select %and3A, %sub3A_56, %div3A_34 : vector<96x4xi1>, vector<96x4xi32>
    %eq3A = arith.cmpi eq, %select_n3A, %iota3A_33 : vector<96x4xi32>
    %convert_element_type3A = arith.extui %eq3A : vector<96x4xi1> to vector<96x4xi32>
    %convert_element_type3A_57 = arith.sitofp %convert_element_type3A : vector<96x4xi32> to vector<96x4xf32>
    %dot_general3A_58 = arith.constant dense<0.000000e+00> : vector<96x128xf32>
    %dot_general3A_59 = tpu.matmul %convert_element_type3A_57, %dot_general3A_5, %dot_general3A_58 {dimension_numbers = #tpu.dot_dimension_numbers<[1], [0], [0], [1], [0, 0, 1, 1], [], []>, transpose_lhs_hint = false} : vector<96x4xf32>, vector<4x128xf32>, vector<96x128xf32> -> vector<96x128xf32>
    %iota3A_60 = tpu.iota {dimensions = array<i32: 0>} : vector<96x4xi32>
    %iota3A_61 = tpu.iota {dimensions = array<i32: 1>} : vector<96x4xi32>
    %jit3A_62 = arith.constant 6 : i32
    %div3A_63 = vector.broadcast %jit3A_62 : i32 to vector<96x4xi32>
    %div3A_64 = arith.divsi %iota3A_60, %div3A_63 : vector<96x4xi32>
    %sign3A_65 = arith.constant 0 : i32
    %sign3A_66 = vector.broadcast %sign3A_65 : i32 to vector<96x4xi32>
    %sign3A_67 = arith.cmpi sgt, %iota3A_60, %sign3A_66 : vector<96x4xi32>
    %sign3A_68 = arith.extui %sign3A_67 : vector<96x4xi1> to vector<96x4xi32>
    %sign3A_69 = arith.constant 0 : i32
    %sign3A_70 = vector.broadcast %sign3A_69 : i32 to vector<96x4xi32>
    %sign3A_71 = arith.cmpi slt, %iota3A_60, %sign3A_70 : vector<96x4xi32>
    %sign3A_72 = arith.extui %sign3A_71 : vector<96x4xi1> to vector<96x4xi32>
    %sign3A_73 = arith.subi %sign3A_68, %sign3A_72 : vector<96x4xi32>
    %sign3A_74 = arith.constant 0 : i32
    %sign3A_75 = arith.cmpi sgt, %jit3A_62, %sign3A_74 : i32
    %sign3A_76 = arith.extui %sign3A_75 : i1 to i32
    %sign3A_77 = arith.constant 0 : i32
    %sign3A_78 = arith.cmpi slt, %jit3A_62, %sign3A_77 : i32
    %sign3A_79 = arith.extui %sign3A_78 : i1 to i32
    %sign3A_80 = arith.subi %sign3A_76, %sign3A_79 : i32
    %ne3A_81 = vector.broadcast %sign3A_80 : i32 to vector<96x4xi32>
    %ne3A_82 = arith.cmpi ne, %sign3A_73, %ne3A_81 : vector<96x4xi32>
    %rem3A_83 = vector.broadcast %jit3A_62 : i32 to vector<96x4xi32>
    %rem3A_84 = arith.remsi %iota3A_60, %rem3A_83 : vector<96x4xi32>
    %ne3A_85 = arith.constant 0 : i32
    %ne3A_86 = vector.broadcast %ne3A_85 : i32 to vector<96x4xi32>
    %ne3A_87 = arith.cmpi ne, %rem3A_84, %ne3A_86 : vector<96x4xi32>
    %and3A_88 = arith.andi %ne3A_82, %ne3A_87 : vector<96x4xi1>
    %sub3A_89 = arith.constant 1 : i32
    %sub3A_90 = vector.broadcast %sub3A_89 : i32 to vector<96x4xi32>
    %sub3A_91 = arith.subi %div3A_64, %sub3A_90 : vector<96x4xi32>
    %select_n3A_92 = arith.select %and3A_88, %sub3A_91, %div3A_64 : vector<96x4xi1>, vector<96x4xi32>
    %jit3A_93 = arith.constant 4 : i32
    %eq3A_94 = arith.constant 0 : i32
    %eq3A_95 = arith.cmpi eq, %jit3A_93, %eq3A_94 : i32
    %jit3A_96 = arith.constant 1 : i32
    %select_n3A_97 = arith.select %eq3A_95, %jit3A_96, %jit3A_93 : i32
    %rem3A_98 = vector.broadcast %select_n3A_97 : i32 to vector<96x4xi32>
    %rem3A_99 = arith.remsi %select_n3A_92, %rem3A_98 : vector<96x4xi32>
    %ne3A_100 = arith.constant 0 : i32
    %ne3A_101 = vector.broadcast %ne3A_100 : i32 to vector<96x4xi32>
    %ne3A_102 = arith.cmpi ne, %rem3A_99, %ne3A_101 : vector<96x4xi32>
    %lt3A = arith.constant 0 : i32
    %lt3A_103 = vector.broadcast %lt3A : i32 to vector<96x4xi32>
    %lt3A_104 = arith.cmpi slt, %rem3A_99, %lt3A_103 : vector<96x4xi32>
    %lt3A_105 = arith.constant 0 : i32
    %lt3A_106 = arith.cmpi slt, %select_n3A_97, %lt3A_105 : i32
    %ne3A_107 = vector.broadcast %lt3A_106 : i1 to vector<96x4xi1>
    %ne3A_108 = vector.broadcast %ne3A_107 : vector<96x4xi1> to vector<96x4xi1>
    %ne3A_109 = arith.xori %lt3A_104, %ne3A_108 : vector<96x4xi1>
    %and3A_110 = arith.andi %ne3A_109, %ne3A_102 : vector<96x4xi1>
    %add3A_111 = vector.broadcast %select_n3A_97 : i32 to vector<96x4xi32>
    %add3A_112 = arith.addi %rem3A_99, %add3A_111 : vector<96x4xi32>
    %select_n3A_113 = arith.select %and3A_110, %add3A_112, %rem3A_99 : vector<96x4xi1>, vector<96x4xi32>
    %eq3A_114 = arith.cmpi eq, %select_n3A_113, %iota3A_61 : vector<96x4xi32>
    %convert_element_type3A_115 = arith.extui %eq3A_114 : vector<96x4xi1> to vector<96x4xi32>
    %convert_element_type3A_116 = arith.sitofp %convert_element_type3A_115 : vector<96x4xi32> to vector<96x4xf32>
    %dot_general3A_117 = arith.constant dense<0.000000e+00> : vector<96x128xf32>
    %dot_general3A_118 = tpu.matmul %convert_element_type3A_116, %dot_general3A_11, %dot_general3A_117 {dimension_numbers = #tpu.dot_dimension_numbers<[1], [0], [0], [1], [0, 0, 1, 1], [], []>, transpose_lhs_hint = false} : vector<96x4xf32>, vector<4x128xf32>, vector<96x128xf32> -> vector<96x128xf32>
    %add3A_119 = arith.addf %dot_general3A_59, %dot_general3A_118 : vector<96x128xf32>
    %iota3A_120 = tpu.iota {dimensions = array<i32: 0>} : vector<96x2xi32>
    %iota3A_121 = tpu.iota {dimensions = array<i32: 1>} : vector<96x2xi32>
    %jit3A_122 = arith.constant 3 : i32
    %div3A_123 = vector.broadcast %jit3A_122 : i32 to vector<96x2xi32>
    %div3A_124 = arith.divsi %iota3A_120, %div3A_123 : vector<96x2xi32>
    %sign3A_125 = arith.constant 0 : i32
    %sign3A_126 = vector.broadcast %sign3A_125 : i32 to vector<96x2xi32>
    %sign3A_127 = arith.cmpi sgt, %iota3A_120, %sign3A_126 : vector<96x2xi32>
    %sign3A_128 = arith.extui %sign3A_127 : vector<96x2xi1> to vector<96x2xi32>
    %sign3A_129 = arith.constant 0 : i32
    %sign3A_130 = vector.broadcast %sign3A_129 : i32 to vector<96x2xi32>
    %sign3A_131 = arith.cmpi slt, %iota3A_120, %sign3A_130 : vector<96x2xi32>
    %sign3A_132 = arith.extui %sign3A_131 : vector<96x2xi1> to vector<96x2xi32>
    %sign3A_133 = arith.subi %sign3A_128, %sign3A_132 : vector<96x2xi32>
    %sign3A_134 = arith.constant 0 : i32
    %sign3A_135 = arith.cmpi sgt, %jit3A_122, %sign3A_134 : i32
    %sign3A_136 = arith.extui %sign3A_135 : i1 to i32
    %sign3A_137 = arith.constant 0 : i32
    %sign3A_138 = arith.cmpi slt, %jit3A_122, %sign3A_137 : i32
    %sign3A_139 = arith.extui %sign3A_138 : i1 to i32
    %sign3A_140 = arith.subi %sign3A_136, %sign3A_139 : i32
    %ne3A_141 = vector.broadcast %sign3A_140 : i32 to vector<96x2xi32>
    %ne3A_142 = arith.cmpi ne, %sign3A_133, %ne3A_141 : vector<96x2xi32>
    %rem3A_143 = vector.broadcast %jit3A_122 : i32 to vector<96x2xi32>
    %rem3A_144 = arith.remsi %iota3A_120, %rem3A_143 : vector<96x2xi32>
    %ne3A_145 = arith.constant 0 : i32
    %ne3A_146 = vector.broadcast %ne3A_145 : i32 to vector<96x2xi32>
    %ne3A_147 = arith.cmpi ne, %rem3A_144, %ne3A_146 : vector<96x2xi32>
    %and3A_148 = arith.andi %ne3A_142, %ne3A_147 : vector<96x2xi1>
    %sub3A_149 = arith.constant 1 : i32
    %sub3A_150 = vector.broadcast %sub3A_149 : i32 to vector<96x2xi32>
    %sub3A_151 = arith.subi %div3A_124, %sub3A_150 : vector<96x2xi32>
    %select_n3A_152 = arith.select %and3A_148, %sub3A_151, %div3A_124 : vector<96x2xi1>, vector<96x2xi32>
    %jit3A_153 = arith.constant 2 : i32
    %eq3A_154 = arith.constant 0 : i32
    %eq3A_155 = arith.cmpi eq, %jit3A_153, %eq3A_154 : i32
    %jit3A_156 = arith.constant 1 : i32
    %select_n3A_157 = arith.select %eq3A_155, %jit3A_156, %jit3A_153 : i32
    %rem3A_158 = vector.broadcast %select_n3A_157 : i32 to vector<96x2xi32>
    %rem3A_159 = arith.remsi %select_n3A_152, %rem3A_158 : vector<96x2xi32>
    %ne3A_160 = arith.constant 0 : i32
    %ne3A_161 = vector.broadcast %ne3A_160 : i32 to vector<96x2xi32>
    %ne3A_162 = arith.cmpi ne, %rem3A_159, %ne3A_161 : vector<96x2xi32>
    %lt3A_163 = arith.constant 0 : i32
    %lt3A_164 = vector.broadcast %lt3A_163 : i32 to vector<96x2xi32>
    %lt3A_165 = arith.cmpi slt, %rem3A_159, %lt3A_164 : vector<96x2xi32>
    %lt3A_166 = arith.constant 0 : i32
    %lt3A_167 = arith.cmpi slt, %select_n3A_157, %lt3A_166 : i32
    %ne3A_168 = vector.broadcast %lt3A_167 : i1 to vector<96x2xi1>
    %ne3A_169 = vector.broadcast %ne3A_168 : vector<96x2xi1> to vector<96x2xi1>
    %ne3A_170 = arith.xori %lt3A_165, %ne3A_169 : vector<96x2xi1>
    %and3A_171 = arith.andi %ne3A_170, %ne3A_162 : vector<96x2xi1>
    %add3A_172 = vector.broadcast %select_n3A_157 : i32 to vector<96x2xi32>
    %add3A_173 = arith.addi %rem3A_159, %add3A_172 : vector<96x2xi32>
    %select_n3A_174 = arith.select %and3A_171, %add3A_173, %rem3A_159 : vector<96x2xi1>, vector<96x2xi32>
    %eq3A_175 = arith.cmpi eq, %select_n3A_174, %iota3A_121 : vector<96x2xi32>
    %convert_element_type3A_176 = arith.extui %eq3A_175 : vector<96x2xi1> to vector<96x2xi32>
    %convert_element_type3A_177 = arith.sitofp %convert_element_type3A_176 : vector<96x2xi32> to vector<96x2xf32>
    %dot_general3A_178 = arith.constant dense<0.000000e+00> : vector<96x128xf32>
    %dot_general3A_179 = tpu.matmul %convert_element_type3A_177, %dot_general3A_17, %dot_general3A_178 {dimension_numbers = #tpu.dot_dimension_numbers<[1], [0], [0], [1], [0, 0, 1, 1], [], []>, transpose_lhs_hint = false} : vector<96x2xf32>, vector<2x128xf32>, vector<96x128xf32> -> vector<96x128xf32>
    %add3A_180 = arith.addf %add3A_119, %dot_general3A_179 : vector<96x128xf32>
    %iota3A_181 = tpu.iota {dimensions = array<i32: 0>} : vector<96x3xi32>
    %iota3A_182 = tpu.iota {dimensions = array<i32: 1>} : vector<96x3xi32>
    %jit3A_183 = arith.constant 3 : i32
    %eq3A_184 = arith.constant 0 : i32
    %eq3A_185 = arith.cmpi eq, %jit3A_183, %eq3A_184 : i32
    %jit3A_186 = arith.constant 1 : i32
    %select_n3A_187 = arith.select %eq3A_185, %jit3A_186, %jit3A_183 : i32
    %rem3A_188 = vector.broadcast %select_n3A_187 : i32 to vector<96x3xi32>
    %rem3A_189 = arith.remsi %iota3A_181, %rem3A_188 : vector<96x3xi32>
    %ne3A_190 = arith.constant 0 : i32
    %ne3A_191 = vector.broadcast %ne3A_190 : i32 to vector<96x3xi32>
    %ne3A_192 = arith.cmpi ne, %rem3A_189, %ne3A_191 : vector<96x3xi32>
    %lt3A_193 = arith.constant 0 : i32
    %lt3A_194 = vector.broadcast %lt3A_193 : i32 to vector<96x3xi32>
    %lt3A_195 = arith.cmpi slt, %rem3A_189, %lt3A_194 : vector<96x3xi32>
    %lt3A_196 = arith.constant 0 : i32
    %lt3A_197 = arith.cmpi slt, %select_n3A_187, %lt3A_196 : i32
    %ne3A_198 = vector.broadcast %lt3A_197 : i1 to vector<96x3xi1>
    %ne3A_199 = vector.broadcast %ne3A_198 : vector<96x3xi1> to vector<96x3xi1>
    %ne3A_200 = arith.xori %lt3A_195, %ne3A_199 : vector<96x3xi1>
    %and3A_201 = arith.andi %ne3A_200, %ne3A_192 : vector<96x3xi1>
    %add3A_202 = vector.broadcast %select_n3A_187 : i32 to vector<96x3xi32>
    %add3A_203 = arith.addi %rem3A_189, %add3A_202 : vector<96x3xi32>
    %select_n3A_204 = arith.select %and3A_201, %add3A_203, %rem3A_189 : vector<96x3xi1>, vector<96x3xi32>
    %eq3A_205 = arith.cmpi eq, %select_n3A_204, %iota3A_182 : vector<96x3xi32>
    %convert_element_type3A_206 = arith.extui %eq3A_205 : vector<96x3xi1> to vector<96x3xi32>
    %convert_element_type3A_207 = arith.sitofp %convert_element_type3A_206 : vector<96x3xi32> to vector<96x3xf32>
    %dot_general3A_208 = arith.constant dense<0.000000e+00> : vector<96x128xf32>
    %dot_general3A_209 = tpu.matmul %convert_element_type3A_207, %dot_general3A_23, %dot_general3A_208 {dimension_numbers = #tpu.dot_dimension_numbers<[1], [0], [0], [1], [0, 0, 1, 1], [], []>, transpose_lhs_hint = false} : vector<96x3xf32>, vector<3x128xf32>, vector<96x128xf32> -> vector<96x128xf32>
    %add3A_210 = arith.addf %add3A_180, %dot_general3A_209 : vector<96x128xf32>
    %add3A_211 = vector.broadcast %add3A : vector<1x128xf32> to vector<96x128xf32>
    %add3A_212 = arith.addf %add3A_210, %add3A_211 : vector<96x128xf32>
    %swap3A = arith.constant 0 : index
    %swap3A_213 = arith.constant 0 : index
    %swap3A_214 = vector.load %arg8[%swap3A, %swap3A_213] : memref<96x128xf32, #tpu.memory_space<vmem>>, vector<96x128xf32>
    tpu.vector_store %arg8[%swap3A, %swap3A_213], %add3A_212 {strides = array<i32>} : memref<96x128xf32, #tpu.memory_space<vmem>>, vector<96x128xf32>,
    return
  }
}

</mosaic_0001>

<sc_bundles>
// kernel: kernel.5.cloned.1.call-start
scs
__scs_entry_jumppad:
0x0: {  	(pc) =	sbr.rel $0x88, $3  }
0x1: {  	(tag) =	ssettag $0x0;
	lr =	simm.s32 $0x1  }
0x2: {  	[smem:$0x3F92] =	sst lr;
	_ =	strace $0xD0000000  }
0x3: {  	_ = 	snop  }
0x4: {  	_ = 	snop  }
0x5: {  	_ = 	snop  }
0x6: {  	_ = 	snop  }
0x7: {  	_ = 	snop  }
__scs_overlays_trampoline_lowered:
0x8: {  	[smem:$0x3FA1] =	sst s0  }
0x9: {  	[smem:$0x3FA2] =	sst s1  }
0xa: {  	[smem:$0x3FA3] =	sst s2  }
0xb: {  	[smem:$0x3FA4] =	sst s3  }
0xc: {  	[smem:$0x3FA5] =	sst s4  }
0xd: {  	[smem:$0x3FA6] =	sst s5  }
0xe: {  	[smem:$0x3FA7] =	sst s6  }
0xf: {  	[smem:$0x3FA8] =	sst s7  }
0x10: {  	[smem:$0x3FA9] =	sst s8  }
0x11: {  	[smem:$0x3FAA] =	sst s9;
	s0 =	simm.s32 @!p0 $0x0  }
0x12: {  	s1 =	sld [smem:$0x3F90];
	s0 =	simm.s32 @p0 $0x1  }
0x13: {  	[smem:$0x3FAB] =	sst s0;
	s0 =	simm.s32 @!p1 $0x0  }
0x14: {  	s2 =	sld [smem:$0x3F8F];
	s0 =	simm.s32 @p1 $0x1  }
0x15: {  	[smem:$0x3FAC] =	sst s0;
	s0 =	simm.s32 @!p2 $0x0  }
0x16: {  	s3 =	sld [smem:$0x3FDB];
	s0 =	simm.s32 @p2 $0x1  }
0x17: {  	s4 =	simm.s32 $0x1BF5;
	[smem:$0x3FAE] =	sst s0  }
0x18: {  	s0 =	sld [smem:$0x3F91];
	_ =	swait.ge [sflag:s4], $0x0  }
0x19: {  	s7 =	sld [smem:$0x3F92]  }
0x1a: {  	s8 =	sadd.s32 $0xFFFFE003, lr  }
0x1b: {  	s9 =	sadd.s32 $0xFFFFFEF7, lr;
	s5 =	simm.s32 $0xFFFFFFFF;
	p2 =	slt.u32 s8, $0xFFFFF086  }
0x1c: {  	p1 =	slt.u32 s9, $0xF7A;
	s5 =	simm.s32 @!p2 $0x0  }
0x1d: {  	s5 =	simm.s32 @p1 $0x1;
	p0 =	seq.s32 s7, s2  }
0x1e: {  	s7 =	smul.u32 @!p0 $0xF7A, s2;
	p2 =	seq.s32 @!p0 s5, $0x0  }
0x1f: {  	s9 =	smul.u32 $0xF7A, s1;
	s8 =	simm.s32 @!p0 $0x1BF5;
	p2 =	por !p2, p0  }
0x20: {  	[sflag:s8] =	ssyncset.s32 @!p0 $0xFFFFF086;
	s6 =	sadd.s32 @!p0 s3, s7;
	s7 =	simm.s32 @!p0 $0x108  }
0x21: {  	s3 =	sadd.s32 s3, s9;
	s6 =	sadd.s32 @!p0 $0x88, s6;
	s7 =	simm.s32 @p2 $0x1082  }
0x22: {  	[simem:s7], [sflag:s8] =	dma.local @!p0 [hbm:s6], $0xF7A  }
0x23: {  	s9 =	sor.u32 $0xD0000000, s2;
	s6 =	simm.s32 $0x108;
	_ =	swait.ge @!p0 [sflag:s8], $0x0  }
0x24: {  	s3 =	sadd.s32 $0x88, s3;
	s6 =	simm.s32 @!p1 $0x1082;
	[sflag:s4] =	ssyncset.s32 $0xFFFFF086  }
0x25: {  	[simem:s6], [sflag:s4] =	dma.local [hbm:s3], $0xF7A  }
0x26: {  	[smem:$0x3F92] =	sst s1;
	(tag) =	ssettag s2;
	_ =	strace s9  }
0x27: {  	s1 =	sld [smem:$0x3FA2]  }
0x28: {  	s2 =	sld [smem:$0x3FA3]  }
0x29: {  	s4 =	sld [smem:$0x3FA5]  }
0x2a: {  	p0 =	seq.s32 s5, $0x0;
	s5 =	sld [smem:$0x3FA6]  }
0x2b: {  	s6 =	sld [smem:$0x3FA7]  }
0x2c: {  	s7 =	sld [smem:$0x3FA8]  }
0x2d: {  	s3 =	simm.s32 $0x108;
	s8 =	sld [smem:$0x3FA9]  }
0x2e: {  	s3 =	simm.s32 @!p0 $0x1082;
	s9 =	sld [smem:$0x3FAA]  }
0x2f: {  	lr =	sadd.s32 s0, s3;
	s0 =	sld [smem:$0x3FA1]  }
0x30: {  	s3 =	sld [smem:$0x3FA4]  }
0x31: {  	[smem:$0x3FAD] =	sst s10  }
0x32: {  	s10 =	sld [smem:$0x3FAB];
	_ =	sdelay $0x3  }
0x33: {  	p0 =	seq.s32 s10, $0x1;
	s10 =	sld [smem:$0x3FAD];
	_ =	sdelay $0x3  }
0x34: {  	[smem:$0x3FAD] =	sst s10  }
0x35: {  	s10 =	sld [smem:$0x3FAC];
	_ =	sdelay $0x3  }
0x36: {  	p1 =	seq.s32 s10, $0x1;
	s10 =	sld [smem:$0x3FAD];
	_ =	sdelay $0x3  }
0x37: {  	[smem:$0x3FAD] =	sst s10  }
0x38: {  	s10 =	sld [smem:$0x3FAE]  }
0x39: {  	_ = 	snop;
	(pc) =	sbr.ind lr, $3  }
0x3a: {  	_ = 	snop  }
0x3b: {  	_ = 	snop  }
0x3c: {  	p2 =	seq.s32 s10, $0x1;
	s10 =	sld [smem:$0x3FAD]  }
0x3d: {  	_ =	shalt  }
0x3e: {  	_ =	shalt  }
0x3f: {  	_ =	shalt  }
0x40: {  	_ =	shalt  }
0x41: {  	_ =	shalt  }
0x42: {  	_ =	shalt  }
0x43: {  	_ =	shalt  }
0x44: {  	_ =	shalt  }
0x45: {  	_ =	shalt  }
0x46: {  	_ =	shalt  }
0x47: {  	_ =	shalt  }
0x48: {  	_ =	shalt  }
0x49: {  	_ =	shalt  }
0x4a: {  	_ =	shalt  }
0x4b: {  	_ =	shalt  }
0x4c: {  	_ =	shalt  }
0x4d: {  	_ =	shalt  }
0x4e: {  	_ =	shalt  }
0x4f: {  	_ =	shalt  }
0x50: {  	_ =	shalt  }
0x51: {  	_ =	shalt  }
0x52: {  	_ =	shalt  }
0x53: {  	_ =	shalt  }
0x54: {  	_ =	shalt  }
0x55: {  	_ =	shalt  }
0x56: {  	_ =	shalt  }
0x57: {  	_ =	shalt  }
0x58: {  	_ =	shalt  }
0x59: {  	_ =	shalt  }
0x5a: {  	_ =	shalt  }
0x5b: {  	_ =	shalt  }
0x5c: {  	_ =	shalt  }
0x5d: {  	_ =	shalt  }
0x5e: {  	_ =	shalt  }
0x5f: {  	_ =	shalt  }
0x60: {  	_ =	shalt  }
0x61: {  	_ =	shalt  }
0x62: {  	_ =	shalt  }
0x63: {  	_ =	shalt  }
0x64: {  	_ =	shalt  }
0x65: {  	_ =	shalt  }
0x66: {  	_ =	shalt  }
0x67: {  	_ =	shalt  }
0x68: {  	_ =	shalt  }
0x69: {  	_ =	shalt  }
0x6a: {  	_ =	shalt  }
0x6b: {  	_ =	shalt  }
0x6c: {  	_ =	shalt  }
0x6d: {  	_ =	shalt  }
0x6e: {  	_ =	shalt  }
0x6f: {  	_ =	shalt  }
0x70: {  	_ =	shalt  }
0x71: {  	_ =	shalt  }
0x72: {  	_ =	shalt  }
0x73: {  	_ =	shalt  }
0x74: {  	_ =	shalt  }
0x75: {  	_ =	shalt  }
0x76: {  	_ =	shalt  }
0x77: {  	_ =	shalt  }
0x78: {  	_ =	shalt  }
0x79: {  	_ =	shalt  }
0x7a: {  	_ =	shalt  }
0x7b: {  	_ =	shalt  }
0x7c: {  	_ =	shalt  }
0x7d: {  	_ =	shalt  }
0x7e: {  	_ =	shalt  }
0x7f: {  	_ =	shalt  }
0x80: {  	_ =	shalt  }
0x81: {  	_ =	shalt  }
0x82: {  	_ =	shalt  }
0x83: {  	_ =	shalt  }
0x84: {  	_ =	shalt  }
0x85: {  	_ =	shalt  }
0x86: {  	_ =	shalt  }
0x87: {  	_ =	shalt  }
.Lfunc_end0:
.L_simem_size_0:
called_computation_lowered:
.L_overlay_start_0:
0x88: {  	s2 =	sld [smem:$0x3FD9]  }
0x89: {  	s3 =	sld [smem:$0x3FFE];
	_ =	sdelay $0x1  }
0x8a: {  	s1 =	srdreg.scid  }
0x8b: {  	s0 =	sand.u32 $0x1, s1  }
0x8c: {  	s17 =	sshll.u32 s0, $0xA;
	s2 =	sadd.s32 s3, s2  }
0x8d: {  	s2 =	sadd.s32 s2, s17  }
0x8e: {  	[smem:$0x3FB9] =	sst s2  }
0x8f: {  	_ = 	snop  }
0x90: {  	s2 =	sld [smem:$0x3FC9]  }
0x91: {  	s18 =	sld [smem:$0x3FC8]  }
0x92: {  	s4 =	sld [smem:$0x3FC7]  }
0x93: {  	s5 =	sld [smem:$0x3FC6]  }
0x94: {  	s6 =	sld [smem:$0x3FD0];
	(tm) =	ssettm $0x1  }
0x95: {  	s7 =	sld [smem:$0x3FFB];
	_ =	sdelay $0x3  }
0x96: {  	_ =	strace s7  }
0x97: {  	s7 =	sld [smem:$0x3FFC];
	_ =	sdelay $0x3  }
0x98: {  	_ =	strace s7  }
0x99: {  	s7 =	sld [smem:$0x3FFD];
	_ =	sdelay $0x3  }
0x9a: {  	_ =	strace s7  }
0x9b: {  	_ =	strace $0x8FFFFFFF  }
0x9c: {  	s19 =	sld [smem:$0x3FDB];
	_ =	sdelay $0x1  }
0x9d: {  	s8 =	simm.s32 $_scs_section_size  }
0x9e: {  	s9 =	simm.s32 $_size__tile_overlayer_lowered;
	s10 =	simm.s32 $_tile_overlayer_lowered  }
0x9f: {  	s22 =	simm.s32 $0x1BFF;
	s21 =	sshll.u32 s10, $0x1;
	s7 =	sadd.s32 s8, s19  }
0xa0: {  	s11 =	simm.s32 $0x0;
	s20 =	sshll.u32 s9, $0x1;
	s9 =	sadd.s32 s21, s7  }
0xa1: {  	[timem:s11], [sflag:s22] =	dma.local [hbm:s9], s20  }
0xa2: {  	_ =	swait.ge [sflag:s22], s20  }
0xa3: {  	s8 =	ssub.s32 $0x0, s20;
	[sflag:s22] =	ssyncset.done $0x0  }
0xa4: {  	[sflag:s22] =	ssyncadd.s32 s8;
	_ =	sdelay $0x1  }
0xa5: {  	s23 =	simm.s32 $0x1B8B  }
0xa6: {  	_ =	swait.ge [sflag:s23], $0x1  }
0xa7: {  	[sflag:s23] =	ssyncset.done $0x0  }
0xa8: {  	s25 =	simm.s32 $0x1B8E;
	s24 =	sld [smem:$0x3FFE];
	[sflag:s23] =	ssyncadd.s32 $0xFFFFFFFF  }
0xa9: {  	s26 =	simm.s32 $execute0_lowered;
	[smem:$0x3FD2] =	sst s25  }
0xaa: {  	s9 =	sshll.u32 s26, $0x1;
	_ =	strace $0x80000046;
	[dreg:$0x1] =	wrdreg $0xFFFFFFFF  }
0xab: {  	s28 =	simm.s32 $_size_execute0_lowered;
	s7 =	sadd.s32 s7, s9;
	[dreg:$0x0] =	wrdreg $0x0  }
0xac: {  	s9 =	sshll.u32 s28, $0x1;
	[dreg:$0x2] =	wrdreg s7  }
0xad: {  	[dreg:$0x3] =	wrdreg s9  }
0xae: {  	[dreg:$0x4] =	wrdreg $0xC0  }
0xaf: {  	_ =	task [dreg:s11], $0x5FFFF  }
0xb0: {  	[dreg:$0x1] =	wrdreg $0xFFFFFFFF  }
0xb1: {  	[dreg:$0x0] =	wrdreg $0x60  }
0xb2: {  	[dreg:$0x2] =	wrdreg s24  }
0xb3: {  	[dreg:$0x3] =	wrdreg s2  }
0xb4: {  	[dreg:$0x4] =	wrdreg s18  }
0xb5: {  	[dreg:$0x5] =	wrdreg s4  }
0xb6: {  	[dreg:$0x6] =	wrdreg s5  }
0xb7: {  	[dreg:$0x7] =	wrdreg s6  }
0xb8: {  	[dreg:$0x8] =	wrdreg $0x9  }
0xb9: {  	_ =	task.clear_ibuf [dreg:s11], $0x9FFFF;
	_ =	strace $0x90000046  }
0xba: {  	s29 =	simm.s32 $0x9;
	_ =	strace $0x80000048  }
0xbb: {  	_ =	swait.ge [sflag:s29], $0x1  }
0xbc: {  	[sflag:s29] =	ssyncadd.s32 $0xFFFFFFFF  }
0xbd: {  	_ =	strace $0x90000048  }
0xbe: {  	_ =	sfence  }
0xbf: {  	s30 =	sld [smem:$0x0];
	_ =	sdelay $0x2  }
0xc0: {  	s31 =	sshll.u32 s1, $0xD;
	s1 =	sshrl.u32 s1, $0x2  }
0xc1: {  	s3 =	sand.u32 $0x4000, s31;
	s1 =	sadd.s32 s1, s30  }
0xc2: {  	s0 =	sor.u32 s3, s0;
	s1 =	sshll.u32 s1, $0x11  }
0xc3: {  	s0 =	sor.u32 s1, s0  }
0xc4: {  	s0 =	sadd.s32 $0x8F2B, s0  }
0xc5: {  	[sflag:s0] =	ssyncadd.remote.s32 $0x1  }
0xc6: {  	_ =	sfence.sel $0xFFFF  }
0xc7: {  	[dreg:$0x0] =	wrdreg $0xFFFFFFFF;
	(pc) =	sbr.abs _section_cstart, $3  }
0xc8: {  	[dreg:$0x1] =	wrdreg $0xFFFFFFFF  }
0xc9: {  	_ =	task.clear_ibuf [dreg:s11], $0x2FFFF;
	_ =	strace $0x9FFFFFFF  }
0xca: {  	(tm) =	ssettm $0x7FFFFFFF  }
0xcb: {  	_ =	shalt  }
tec
execute0_lowered:
.L_overlay_start_1:
0x0: {  	(tag) =	ssettag $0x1  }
0x1: {  	s3 =	rddreg [dreg:$0x0]  }
0x2: {  	s4 =	rddreg [dreg:$0x1]  }
0x3: {  	s5 =	rddreg [dreg:$0x2]  }
0x4: {  	s6 =	rddreg [dreg:$0x3]  }
0x5: {  	s7 =	rddreg [dreg:$0x4]  }
0x6: {  	s8 =	rddreg [dreg:$0x5]  }
0x7: {  	s0 =	rddreg [dreg:$0x6];
	s2 =	simm.s32 $0x0;
	s9 =	srdreg.scid  }
0x8: {  	s1 =	stileid.u32;
	s13 =	simm.s32 $0x200;
	s14 =	simm.s32 $0x400  }
0x9: {  	s15 =	simm.s32 $0x600;
	s16 =	simm.s32 $0x1;
	s17 =	simm.s32 $0x80  }
0xa: {  	s18 =	simm.s32 $0x800;
	s19 =	simm.s32 $0xA00;
	s20 =	simm.s32 $0x880  }
0xb: {  	s21 =	simm.s32 $0x4A00;
	s22 =	simm.s32 $0x900;
	s23 =	simm.s32 $0x8A00  }
0xc: {  	s24 =	simm.s32 $0x980;
	s25 =	simm.s32 $0xCA00;
	s26 =	simm.s32 $0x2  }
0xd: {  	[smem:$0x7FF] =	sst s2;
	s9 =	sand.u32 $0x1, s9;
	s11 =	sshll.u32 s1, $0xA  }
0xe: {  	s3 =	sadd.s32 $0x1E00, s3;
	s10 =	ssub.s32 $0x2, s9;
	s9 =	sshll.u32 s9, $0x9  }
0xf: {  	_ =	strace $0x80000047;
	s12 =	sshrl.u32 s10, $0x1;
	s9 =	sor.u32 s9, s11  }
0x10: {  	s12 =	ssub.s32 s10, s12;
	s31 =	sshrl.u32 s9, $0x3;
	s9 =	sshll.u32 s9, $0x4  }
0x11: {  	s4 =	sadd.s32 s4, s31;
	s5 =	sadd.s32 s5, s31;
	s6 =	sadd.s32 s6, s31  }
0x12: {  	s7 =	sadd.s32 s7, s31;
	s8 =	sadd.s32 s8, s9;
	s12 =	smax.u32 s12, $0x1  }
0x13: {  	s9 =	sadd.s32 $0x800, s8;
	s10 =	sadd.s32 $0x1000, s8;
	s11 =	sadd.s32 $0x1800, s8  }
.LBB2_1:
0x14: {  	[tilespmem:s2], [sflag:$0x1] =	stream.linear.gather [hbm4b:s4+s2], $0x200, $0x38;
	[tilespmem:$0x10A00] =	vst v63  }
0x15: {  	_ = 	snop  }
0x16: {  	[tilespmem:s13], [sflag:$0x1] =	stream.linear.gather [hbm4b:s5+s2], $0x200, $0x38;
	[tilespmem:$0x10A00] =	vst v63  }
0x17: {  	_ = 	snop  }
0x18: {  	[tilespmem:s14], [sflag:$0x1] =	stream.linear.gather [hbm4b:s6+s2], $0x200, $0x38;
	[tilespmem:$0x10A00] =	vst v63  }
0x19: {  	_ = 	snop  }
0x1a: {  	[tilespmem:s15], [sflag:$0x1] =	stream.linear.gather [hbm4b:s7+s2], $0x200, $0x38;
	[tilespmem:$0x10A00] =	vst v63  }
0x1b: {  	_ =	swait.ge [sflag:s16], $0x200  }
0x1c: {  	[sflag:s16] =	ssyncset.done $0x0  }
0x1d: {  	[sflag:s16] =	ssyncadd.s32 $0xFFFFFE00  }
0x1e: {  	_ =	swait.ge [sflag:s16], $0x200  }
0x1f: {  	[sflag:s16] =	ssyncset.done $0x0  }
0x20: {  	[sflag:s16] =	ssyncadd.s32 $0xFFFFFE00  }
0x21: {  	_ =	swait.ge [sflag:s16], $0x200  }
0x22: {  	[sflag:s16] =	ssyncset.done $0x0  }
0x23: {  	[sflag:s16] =	ssyncadd.s32 $0xFFFFFE00  }
0x24: {  	_ =	swait.ge [sflag:s16], $0x200  }
0x25: {  	[sflag:s16] =	ssyncset.done $0x0  }
0x26: {  	[sflag:s16] =	ssyncadd.s32 $0xFFFFFE00  }
0x27: {  	v0 =	vld [tilespmem:$0x0]  }
0x28: {  	v1 =	vld [tilespmem:$0x200]  }
0x29: {  	v2 =	vld [tilespmem:$0x400]  }
0x2a: {  	v3 =	vld [tilespmem:$0x600]  }
0x2b: {  	v4 =	vld [tilespmem:$0x10]  }
0x2c: {  	v5 =	vld [tilespmem:$0x210]  }
0x2d: {  	v6 =	vld [tilespmem:$0x410]  }
0x2e: {  	v7 =	vld [tilespmem:$0x610]  }
0x2f: {  	v8 =	vld [tilespmem:$0x20]  }
0x30: {  	v9 =	vld [tilespmem:$0x220]  }
0x31: {  	v12 =	vld [tilespmem:$0x30]  }
0x32: {  	v13 =	vld [tilespmem:$0x230]  }
0x33: {  	v16 =	vld [tilespmem:$0x40]  }
0x34: {  	v17 =	vld [tilespmem:$0x240]  }
0x35: {  	v54 =	vld [tilespmem:$0x50]  }
0x36: {  	v55 =	vld [tilespmem:$0x250]  }
0x37: {  	v60 =	vld [tilespmem:$0x60]  }
0x38: {  	v63 =	vld [tilespmem:$0x260]  }
0x39: {  	v20 =	vld [tilespmem:$0x70]  }
0x3a: {  	v23 =	vld [tilespmem:$0x270];
	v0 =	vshll.u32 v0, $0x3;
	v1 =	vshll.u32 v1, $0x1  }
0x3b: {  	v10 =	vld [tilespmem:$0x420];
	v52 =	vshll.u32 v4, $0x3;
	v53 =	vshll.u32 v5, $0x1;
	v56 =	vshll.u32 v8, $0x3  }
0x3c: {  	v11 =	vld [tilespmem:$0x620];
	v57 =	vshll.u32 v9, $0x1;
	v61 =	vshll.u32 v12, $0x3;
	v62 =	vshll.u32 v13, $0x1  }
0x3d: {  	v14 =	vld [tilespmem:$0x430];
	v21 =	vshll.u32 v16, $0x3;
	v22 =	vshll.u32 v17, $0x1;
	v5 =	vshll.u32 v54, $0x3  }
0x3e: {  	v15 =	vld [tilespmem:$0x630];
	v4 =	vshll.u32 v55, $0x1;
	v28 =	vshll.u32 v60, $0x3;
	v29 =	vshll.u32 v63, $0x1  }
0x3f: {  	v58 =	vld [tilespmem:$0x450];
	v32 =	vshll.u32 v20, $0x3;
	v33 =	vshll.u32 v23, $0x1;
	v0 =	vadd.s32 v0, v1  }
0x40: {  	v18 =	vld [tilespmem:$0x440];
	v59 =	vadd.s32 v56, v57;
	v19 =	vadd.s32 v61, v62;
	v0 =	vadd.s32 v2, v0  }
0x41: {  	v24 =	vld [tilespmem:$0x460];
	v4 =	vadd.s32 v5, v4;
	v2 =	vadd.s32 v52, v53;
	v0 =	vmul.u32 $0x3, v0  }
0x42: {  	v26 =	vld [tilespmem:$0x650];
	v31 =	vadd.s32 v28, v29;
	v35 =	vadd.s32 v32, v33;
	v2 =	vadd.s32 v6, v2  }
0x43: {  	v25 =	vld [tilespmem:$0x470];
	v2 =	vmul.u32 $0x3, v2;
	v0 =	vadd.s32 v3, v0;
	v3 =	vadd.s32 v10, v59  }
0x44: {  	v51 =	vld [tilespmem:$0x640];
	v27 =	vadd.s32 v58, v4;
	v10 =	vadd.s32 v21, v22;
	v3 =	vmul.u32 $0x3, v3  }
0x45: {  	v30 =	vld [tilespmem:$0x660];
	v2 =	vadd.s32 v7, v2;
	v7 =	vadd.s32 v14, v19;
	[tilespmem:$0x800] =	vst v0;
	v0 =	vmul.u32 $0x3, v27  }
0x46: {  	v34 =	vld [tilespmem:$0x670];
	v10 =	vadd.s32 v18, v10;
	v7 =	vmul.u32 $0x3, v7;
	[tilespmem:$0x810] =	vst v2;
	v3 =	vadd.s32 v11, v3  }
0x47: {  	v10 =	vmul.u32 $0x3, v10;
	v2 =	vadd.s32 v24, v31;
	v0 =	vadd.s32 v26, v0;
	[tilespmem:$0x820] =	vst v3  }
0x48: {  	v2 =	vmul.u32 $0x3, v2;
	v7 =	vadd.s32 v15, v7;
	v3 =	vadd.s32 v25, v35;
	[tilespmem:$0x850] =	vst v0  }
0x49: {  	v1 =	vadd.s32 v51, v10;
	[tilespmem:$0x830] =	vst v7;
	v36 =	vmul.u32 $0x3, v3  }
0x4a: {  	[tilespmem:$0x840] =	vst v1;
	v37 =	vadd.s32 v30, v2  }
0x4b: {  	[tilespmem:$0x860] =	vst v37;
	v38 =	vadd.s32 v34, v36  }
0x4c: {  	[tilespmem:$0x870] =	vst v38  }
0x4d: {  	[tilespmem:s19], [sflag:$0x1] =	stream.indirect.gather [hbm4b:s3+s17], $0x80, s18, s17, $0xb8;
	[tilespmem:$0x10A00] =	vst v63  }
0x4e: {  	v39 =	vld [tilespmem:$0x80]  }
0x4f: {  	v40 =	vld [tilespmem:$0x280]  }
0x50: {  	v41 =	vld [tilespmem:$0x480]  }
0x51: {  	v42 =	vld [tilespmem:$0x680]  }
0x52: {  	v43 =	vld [tilespmem:$0x90]  }
0x53: {  	v44 =	vld [tilespmem:$0x290]  }
0x54: {  	v45 =	vld [tilespmem:$0x490]  }
0x55: {  	v46 =	vld [tilespmem:$0x690]  }
0x56: {  	v47 =	vld [tilespmem:$0xA0]  }
0x57: {  	v48 =	vld [tilespmem:$0x2A0]  }
0x58: {  	v51 =	vld [tilespmem:$0xB0]  }
0x59: {  	v52 =	vld [tilespmem:$0x2B0]  }
0x5a: {  	v55 =	vld [tilespmem:$0xC0]  }
0x5b: {  	v56 =	vld [tilespmem:$0x2C0]  }
0x5c: {  	v61 =	vld [tilespmem:$0xD0]  }
0x5d: {  	v62 =	vld [tilespmem:$0x2D0]  }
0x5e: {  	v22 =	vld [tilespmem:$0xE0]  }
0x5f: {  	v25 =	vld [tilespmem:$0x2E0]  }
0x60: {  	v27 =	vld [tilespmem:$0xF0]  }
0x61: {  	v30 =	vld [tilespmem:$0x2F0];
	v0 =	vshll.u32 v39, $0x3;
	v1 =	vshll.u32 v40, $0x1  }
0x62: {  	v49 =	vld [tilespmem:$0x4A0];
	v59 =	vshll.u32 v43, $0x3;
	v60 =	vshll.u32 v44, $0x1;
	v63 =	vshll.u32 v47, $0x3  }
0x63: {  	v50 =	vld [tilespmem:$0x6A0];
	v19 =	vshll.u32 v48, $0x1;
	v23 =	vshll.u32 v51, $0x3;
	v24 =	vshll.u32 v52, $0x1  }
0x64: {  	v53 =	vld [tilespmem:$0x4B0];
	v28 =	vshll.u32 v55, $0x3;
	v29 =	vshll.u32 v56, $0x1;
	v5 =	vshll.u32 v61, $0x3  }
0x65: {  	v54 =	vld [tilespmem:$0x6B0];
	v4 =	vshll.u32 v62, $0x1;
	v35 =	vshll.u32 v22, $0x3;
	v36 =	vshll.u32 v25, $0x1  }
0x66: {  	v57 =	vld [tilespmem:$0x4C0];
	v39 =	vshll.u32 v27, $0x3;
	v40 =	vshll.u32 v30, $0x1;
	v0 =	vadd.s32 v0, v1  }
0x67: {  	v20 =	vld [tilespmem:$0x4D0];
	v2 =	vadd.s32 v59, v60;
	v21 =	vadd.s32 v63, v19;
	v26 =	vadd.s32 v23, v24  }
0x68: {  	v58 =	vld [tilespmem:$0x6C0];
	v10 =	vadd.s32 v28, v29;
	v4 =	vadd.s32 v5, v4;
	v0 =	vadd.s32 v41, v0  }
0x69: {  	v31 =	vld [tilespmem:$0x4E0];
	v38 =	vadd.s32 v35, v36;
	v2 =	vadd.s32 v45, v2;
	v0 =	vmul.u32 $0x3, v0  }
0x6a: {  	v32 =	vld [tilespmem:$0x4F0];
	v3 =	vadd.s32 v49, v21;
	v7 =	vadd.s32 v53, v26;
	v2 =	vmul.u32 $0x3, v2  }
0x6b: {  	v33 =	vld [tilespmem:$0x6D0];
	v3 =	vmul.u32 $0x3, v3;
	v7 =	vmul.u32 $0x3, v7;
	v0 =	vadd.s32 v42, v0  }
0x6c: {  	v37 =	vld [tilespmem:$0x6E0];
	v10 =	vadd.s32 v57, v10;
	v34 =	vadd.s32 v20, v4;
	v2 =	vadd.s32 v46, v2;
	[tilespmem:$0x880] =	vst v0  }
0x6d: {  	v41 =	vld [tilespmem:$0x6F0];
	v10 =	vmul.u32 $0x3, v10;
	v3 =	vadd.s32 v50, v3;
	v7 =	vadd.s32 v54, v7;
	[tilespmem:$0x890] =	vst v2  }
0x6e: {  	v42 =	vadd.s32 v39, v40;
	[tilespmem:$0x8A0] =	vst v3;
	v0 =	vmul.u32 $0x3, v34;
	v2 =	vadd.s32 v31, v38  }
0x6f: {  	v1 =	vadd.s32 v58, v10;
	[tilespmem:$0x8B0] =	vst v7;
	v3 =	vadd.s32 v32, v42;
	v2 =	vmul.u32 $0x3, v2  }
0x70: {  	[tilespmem:$0x8C0] =	vst v1;
	v43 =	vmul.u32 $0x3, v3;
	v0 =	vadd.s32 v33, v0  }
0x71: {  	[tilespmem:$0x8D0] =	vst v0;
	v44 =	vadd.s32 v37, v2  }
0x72: {  	v45 =	vadd.s32 v41, v43;
	[tilespmem:$0x8E0] =	vst v44  }
0x73: {  	[tilespmem:$0x8F0] =	vst v45  }
0x74: {  	[tilespmem:s21], [sflag:$0x1] =	stream.indirect.gather [hbm4b:s3+s17], $0x80, s20, s17, $0xb8;
	[tilespmem:$0x10A00] =	vst v63  }
0x75: {  	v46 =	vld [tilespmem:$0x100]  }
0x76: {  	v47 =	vld [tilespmem:$0x300]  }
0x77: {  	v48 =	vld [tilespmem:$0x500]  }
0x78: {  	v49 =	vld [tilespmem:$0x700]  }
0x79: {  	v50 =	vld [tilespmem:$0x110]  }
0x7a: {  	v51 =	vld [tilespmem:$0x310]  }
0x7b: {  	v52 =	vld [tilespmem:$0x510]  }
0x7c: {  	v53 =	vld [tilespmem:$0x710]  }
0x7d: {  	v54 =	vld [tilespmem:$0x120]  }
0x7e: {  	v55 =	vld [tilespmem:$0x320]  }
0x7f: {  	v56 =	vld [tilespmem:$0x520]  }
0x80: {  	v58 =	vld [tilespmem:$0x130]  }
0x81: {  	v59 =	vld [tilespmem:$0x330]  }
0x82: {  	v62 =	vld [tilespmem:$0x140]  }
0x83: {  	v63 =	vld [tilespmem:$0x340]  }
0x84: {  	v25 =	vld [tilespmem:$0x150]  }
0x85: {  	v26 =	vld [tilespmem:$0x350]  }
0x86: {  	v31 =	vld [tilespmem:$0x160]  }
0x87: {  	v34 =	vld [tilespmem:$0x360]  }
0x88: {  	v57 =	vld [tilespmem:$0x720];
	v0 =	vshll.u32 v46, $0x3;
	v1 =	vshll.u32 v47, $0x1  }
0x89: {  	v60 =	vld [tilespmem:$0x530];
	v23 =	vshll.u32 v50, $0x3;
	v24 =	vshll.u32 v51, $0x1;
	v27 =	vshll.u32 v54, $0x3  }
0x8a: {  	v61 =	vld [tilespmem:$0x730];
	v28 =	vshll.u32 v55, $0x1;
	v32 =	vshll.u32 v58, $0x3;
	v33 =	vshll.u32 v59, $0x1  }
0x8b: {  	v21 =	vld [tilespmem:$0x540];
	v37 =	vshll.u32 v62, $0x3;
	v38 =	vshll.u32 v63, $0x1;
	v5 =	vshll.u32 v25, $0x3  }
0x8c: {  	v29 =	vld [tilespmem:$0x550];
	v4 =	vshll.u32 v26, $0x1;
	v44 =	vshll.u32 v31, $0x3;
	v45 =	vshll.u32 v34, $0x1  }
0x8d: {  	v22 =	vld [tilespmem:$0x740];
	v0 =	vadd.s32 v0, v1;
	v2 =	vadd.s32 v23, v24;
	v30 =	vadd.s32 v27, v28  }
0x8e: {  	v36 =	vld [tilespmem:$0x170];
	v35 =	vadd.s32 v32, v33;
	v10 =	vadd.s32 v37, v38;
	v4 =	vadd.s32 v5, v4  }
0x8f: {  	v39 =	vld [tilespmem:$0x370];
	v47 =	vadd.s32 v44, v45;
	v0 =	vadd.s32 v48, v0;
	v2 =	vadd.s32 v52, v2  }
0x90: {  	v40 =	vld [tilespmem:$0x560];
	v3 =	vadd.s32 v56, v30;
	v7 =	vadd.s32 v60, v35;
	v0 =	vmul.u32 $0x3, v0  }
0x91: {  	v41 =	vld [tilespmem:$0x570];
	v10 =	vadd.s32 v21, v10;
	v43 =	vadd.s32 v29, v4;
	v2 =	vmul.u32 $0x3, v2  }
0x92: {  	v42 =	vld [tilespmem:$0x750];
	v3 =	vmul.u32 $0x3, v3;
	v7 =	vmul.u32 $0x3, v7;
	v0 =	vadd.s32 v49, v0  }
0x93: {  	v46 =	vld [tilespmem:$0x760];
	v48 =	vshll.u32 v36, $0x3;
	v10 =	vmul.u32 $0x3, v10;
	v2 =	vadd.s32 v53, v2;
	[tilespmem:$0x900] =	vst v0  }
0x94: {  	v50 =	vld [tilespmem:$0x770];
	v3 =	vadd.s32 v57, v3;
	v7 =	vadd.s32 v61, v7;
	v49 =	vshll.u32 v39, $0x1;
	[tilespmem:$0x910] =	vst v2  }
0x95: {  	[tilespmem:$0x920] =	vst v3;
	v0 =	vmul.u32 $0x3, v43;
	v2 =	vadd.s32 v40, v47;
	v51 =	vadd.s32 v48, v49  }
0x96: {  	v1 =	vadd.s32 v22, v10;
	[tilespmem:$0x930] =	vst v7;
	v2 =	vmul.u32 $0x3, v2;
	v3 =	vadd.s32 v41, v51  }
0x97: {  	[tilespmem:$0x940] =	vst v1;
	v0 =	vadd.s32 v42, v0;
	v52 =	vmul.u32 $0x3, v3  }
0x98: {  	[tilespmem:$0x950] =	vst v0;
	v53 =	vadd.s32 v46, v2  }
0x99: {  	[tilespmem:$0x960] =	vst v53;
	v54 =	vadd.s32 v50, v52  }
0x9a: {  	[tilespmem:$0x970] =	vst v54  }
0x9b: {  	[tilespmem:s23], [sflag:$0x1] =	stream.indirect.gather [hbm4b:s3+s17], $0x80, s22, s17, $0xb8;
	[tilespmem:$0x10A00] =	vst v63  }
0x9c: {  	v55 =	vld [tilespmem:$0x180]  }
0x9d: {  	v56 =	vld [tilespmem:$0x380]  }
0x9e: {  	v57 =	vld [tilespmem:$0x580]  }
0x9f: {  	v58 =	vld [tilespmem:$0x780]  }
0xa0: {  	v59 =	vld [tilespmem:$0x190]  }
0xa1: {  	v60 =	vld [tilespmem:$0x390]  }
0xa2: {  	v61 =	vld [tilespmem:$0x590]  }
0xa3: {  	v62 =	vld [tilespmem:$0x790]  }
0xa4: {  	v63 =	vld [tilespmem:$0x1A0]  }
0xa5: {  	v21 =	vld [tilespmem:$0x3A0]  }
0xa6: {  	v22 =	vld [tilespmem:$0x5A0]  }
0xa7: {  	v24 =	vld [tilespmem:$0x1B0]  }
0xa8: {  	v25 =	vld [tilespmem:$0x3B0]  }
0xa9: {  	v28 =	vld [tilespmem:$0x1C0]  }
0xaa: {  	v29 =	vld [tilespmem:$0x3C0]  }
0xab: {  	v34 =	vld [tilespmem:$0x1D0]  }
0xac: {  	v35 =	vld [tilespmem:$0x3D0]  }
0xad: {  	v40 =	vld [tilespmem:$0x1E0]  }
0xae: {  	v43 =	vld [tilespmem:$0x3E0]  }
0xaf: {  	v23 =	vld [tilespmem:$0x7A0];
	v0 =	vshll.u32 v55, $0x3;
	v1 =	vshll.u32 v56, $0x1  }
0xb0: {  	v26 =	vld [tilespmem:$0x5B0];
	v32 =	vshll.u32 v59, $0x3;
	v33 =	vshll.u32 v60, $0x1;
	v36 =	vshll.u32 v63, $0x3  }
0xb1: {  	v27 =	vld [tilespmem:$0x7B0];
	v37 =	vshll.u32 v21, $0x1;
	v41 =	vshll.u32 v24, $0x3;
	v42 =	vshll.u32 v25, $0x1  }
0xb2: {  	v30 =	vld [tilespmem:$0x5C0];
	v46 =	vshll.u32 v28, $0x3;
	v47 =	vshll.u32 v29, $0x1;
	v5 =	vshll.u32 v34, $0x3  }
0xb3: {  	v38 =	vld [tilespmem:$0x5D0];
	v4 =	vshll.u32 v35, $0x1;
	v53 =	vshll.u32 v40, $0x3;
	v54 =	vshll.u32 v43, $0x1  }
0xb4: {  	v31 =	vld [tilespmem:$0x7C0];
	v0 =	vadd.s32 v0, v1;
	v2 =	vadd.s32 v32, v33;
	v39 =	vadd.s32 v36, v37  }
0xb5: {  	v45 =	vld [tilespmem:$0x1F0];
	v44 =	vadd.s32 v41, v42;
	v10 =	vadd.s32 v46, v47;
	v4 =	vadd.s32 v5, v4  }
0xb6: {  	v48 =	vld [tilespmem:$0x3F0];
	v56 =	vadd.s32 v53, v54;
	v0 =	vadd.s32 v57, v0;
	v2 =	vadd.s32 v61, v2  }
0xb7: {  	v49 =	vld [tilespmem:$0x5E0];
	v3 =	vadd.s32 v22, v39;
	v7 =	vadd.s32 v26, v44;
	v0 =	vmul.u32 $0x3, v0  }
0xb8: {  	v50 =	vld [tilespmem:$0x5F0];
	v10 =	vadd.s32 v30, v10;
	v52 =	vadd.s32 v38, v4;
	v2 =	vmul.u32 $0x3, v2  }
0xb9: {  	v51 =	vld [tilespmem:$0x7D0];
	v3 =	vmul.u32 $0x3, v3;
	v7 =	vmul.u32 $0x3, v7;
	v0 =	vadd.s32 v58, v0  }
0xba: {  	v55 =	vld [tilespmem:$0x7E0];
	v57 =	vshll.u32 v45, $0x3;
	v10 =	vmul.u32 $0x3, v10;
	v2 =	vadd.s32 v62, v2;
	[tilespmem:$0x980] =	vst v0  }
0xbb: {  	v59 =	vld [tilespmem:$0x7F0];
	v3 =	vadd.s32 v23, v3;
	v7 =	vadd.s32 v27, v7;
	v58 =	vshll.u32 v48, $0x1;
	[tilespmem:$0x990] =	vst v2  }
0xbc: {  	[tilespmem:$0x9A0] =	vst v3;
	v2 =	vadd.s32 v49, v56;
	v60 =	vadd.s32 v57, v58;
	v0 =	vmul.u32 $0x3, v52  }
0xbd: {  	v1 =	vadd.s32 v31, v10;
	[tilespmem:$0x9B0] =	vst v7;
	v3 =	vadd.s32 v50, v60;
	v2 =	vmul.u32 $0x3, v2  }
0xbe: {  	[tilespmem:$0x9C0] =	vst v1;
	v0 =	vadd.s32 v51, v0;
	v61 =	vmul.u32 $0x3, v3  }
0xbf: {  	[tilespmem:$0x9D0] =	vst v0;
	v62 =	vadd.s32 v55, v2  }
0xc0: {  	[tilespmem:$0x9E0] =	vst v62;
	v63 =	vadd.s32 v59, v61  }
0xc1: {  	[tilespmem:$0x9F0] =	vst v63  }
0xc2: {  	[tilespmem:s25], [sflag:$0x1] =	stream.indirect.gather [hbm4b:s3+s17], $0x80, s24, s17, $0xb8;
	[tilespmem:$0x10A00] =	vst v63  }
0xc3: {  	_ =	swait.ge [sflag:s16], $0x4000  }
0xc4: {  	[sflag:s16] =	ssyncset.done $0x0  }
0xc5: {  	[sflag:s16] =	ssyncadd.s32 $0xFFFFC000  }
0xc6: {  	[hbm4b:s8+s2] =	stream.linear.scatter [tilespmem:s19], [sflag:$0x2], $0x4000, $0x38;
	[tilespmem:$0x10A00] =	vst v63  }
0xc7: {  	_ =	swait.ge [sflag:s16], $0x4000  }
0xc8: {  	[sflag:s16] =	ssyncset.done $0x0  }
0xc9: {  	[sflag:s16] =	ssyncadd.s32 $0xFFFFC000  }
0xca: {  	[hbm4b:s9+s2] =	stream.linear.scatter [tilespmem:s21], [sflag:$0x2], $0x4000, $0x38;
	[tilespmem:$0x10A00] =	vst v63  }
0xcb: {  	_ =	swait.ge [sflag:s16], $0x4000  }
0xcc: {  	[sflag:s16] =	ssyncset.done $0x0  }
0xcd: {  	[sflag:s16] =	ssyncadd.s32 $0xFFFFC000  }
0xce: {  	[hbm4b:s10+s2] =	stream.linear.scatter [tilespmem:s23], [sflag:$0x2], $0x4000, $0x38;
	[tilespmem:$0x10A00] =	vst v63  }
0xcf: {  	_ =	swait.ge [sflag:s16], $0x4000  }
0xd0: {  	[sflag:s16] =	ssyncset.done $0x0  }
0xd1: {  	[sflag:s16] =	ssyncadd.s32 $0xFFFFC000  }
0xd2: {  	[hbm4b:s11+s2] =	stream.linear.scatter [tilespmem:s25], [sflag:$0x2], $0x4000, $0x38;
	[tilespmem:$0x10A00] =	vst v63  }
0xd3: {  	_ =	swait.ge [sflag:s26], $0x4000  }
0xd4: {  	[sflag:s26] =	ssyncset.done $0x0  }
0xd5: {  	[sflag:s26] =	ssyncadd.s32 $0xFFFFC000  }
0xd6: {  	_ =	swait.ge [sflag:s26], $0x4000  }
0xd7: {  	[sflag:s26] =	ssyncset.done $0x0  }
0xd8: {  	[sflag:s26] =	ssyncadd.s32 $0xFFFFC000  }
0xd9: {  	p0 =	sne.s32 s12, $0x1;
	_ =	swait.ge [sflag:s26], $0x4000  }
.Ltmp0:
0xda: {  	[sflag:s26] =	ssyncset.done $0x0;
	(pc) =	sbr.rel @p0 .LBB2_1-.Ltmp0, $4  }
0xdb: {  	[sflag:s26] =	ssyncadd.s32 $0xFFFFC000  }
0xdc: {  	_ =	swait.ge [sflag:s26], $0x4000  }
0xdd: {  	[sflag:s26] =	ssyncset.done $0x0  }
0xde: {  	s12 =	sadd.s32 $0xFFFFFFFF, s12;
	[sflag:s26] =	ssyncadd.s32 $0xFFFFC000  }
0xdf: {  	_ =	sfence.sel $0x180000  }
0xe0: {  	[bflag:$0x0] =	sbarrier.arrive $0xFFFF  }
0xe1: {  	p0 =	sne.s32 s1, $0x0;
	_ =	strace $0x90000047  }
0xe2: {  	s0 =	sadd.s32 @!p0 $0x100000, s0;
	[bflag:$0x2] =	sbarrier.arrive $0xFFFF  }
0xe3: {  	[sflag:s0] =	ssyncadd.tile.s32 @!p0 $0x1;
	_ =	shalt  }
.Lfunc_end2:
_tile_overlayer_lowered:
.L_overlay_start_2:
0xe4: {  	(tag) =	ssettag $0x2  }
0xe5: {  	s0 =	rddreg [dreg:$0x0];
	s2 =	stileid.u32  }
0xe6: {  	s1 =	rddreg [dreg:$0x1];
	p0 =	sne.s32 s2, $0x0  }
0xe7: {  	s3 =	rddreg [dreg:$0x2];
	[bflag:$0x3] =	sbarrier.arrive $0xFFFF;
	s2 =	simm.s32 @!p0 $0x1C03  }
0xe8: {  	[timem:s3], [sflag:s2] =	dma.local @!p0 [hbm:s0], s1  }
0xe9: {  	s0 =	simm.s32 @!p0 $0x3  }
0xea: {  	_ =	swait.ge @!p0 [sflag:s0], s1  }
0xeb: {  	s1 =	ssub.s32 @!p0 $0x0, s1;
	[sflag:s0] =	ssyncset.done @!p0 $0x0  }
0xec: {  	[sflag:s0] =	ssyncadd.s32 @!p0 s1  }
0xed: {  	[bflag:$0x3] =	sbarrier.arrive $0xFFFF  }
0xee: {  	_ =	shalt  }

</sc_bundles>
